<compile_context>
chip_gen: v7x
topology: tpu7x:2x2x1
jax: 0.10.2.dev20260603
libtpu: 0.0.44.dev20260713+nightly
codegen_flags: <defaults>
</compile_context>

<pallas_src>
import functools

import jax
import jax.numpy as jnp
from jax import lax
from jax.experimental import pallas as pl
from jax.experimental.pallas import tpu as pltpu
from jax.experimental.pallas import tpu_sc as plsc

_SC_CORES = 2
_SC_SUBCORES = 16
_NW = _SC_CORES * _SC_SUBCORES
_IDXW = 128


def _encode_body(nchunk, chunk, tb, emit_pad,
                 z_ref, vin_ref, gin_ref, bin_ref, cb_ref,
                 ze_ref, idx_ref, *maybe_cbp):
    if emit_pad:
        cbp_ref, = maybe_cbp

        @pl.when(pl.program_id(0) == 0)
        def _():
            cbp_ref[:, :cb_ref.shape[1]] = cb_ref[...]
            cbp_ref[:, cb_ref.shape[1]:] = jnp.zeros(
                (cb_ref.shape[0], 128 - cb_ref.shape[1]), jnp.float32)
    v = vin_ref[...]
    norm = jnp.sqrt(jnp.sum(v * v, axis=1, keepdims=True))
    w = gin_ref[...] * v / norm
    ze = lax.dot_general(w, z_ref[0], (((1,), (0,)), ((), ())))
    ze = ze + bin_ref[...]
    ze_ref[0] = ze
    zd = (2.0 * ze).astype(jnp.bfloat16)
    sumz = jnp.sum(ze * ze, axis=0, keepdims=True)

    sub = 512
    iota0 = lax.broadcasted_iota(jnp.int32, (sub, 1), 0).astype(jnp.float32)
    bd = bi = None
    for k in range(nchunk):
        wv = None
        for s in range(chunk // sub):
            cc = cb_ref[pl.ds(k * chunk + s * sub, sub), :]
            cn = jnp.sum(cc * cc, axis=1, keepdims=True)
            sc = lax.dot_general(cc, zd, (((1,), (0,)), ((), ())),
                                 preferred_element_type=jnp.float32)
            d = (sumz - sc) + cn
            mn = jnp.min(d, axis=0, keepdims=True)
            iota = iota0 + jnp.float32(k * chunk + s * sub)
            am = jnp.min(jnp.where(d == mn, iota, jnp.float32(3e38)),
                         axis=0, keepdims=True)
            if wv is None:
                wv, wi = mn, am
            else:
                tk = (wv < mn) | ((wv == mn) & (wi <= am))
                wv = jnp.where(tk, wv, mn)
                wi = jnp.where(tk, wi, am)
        if bd is None:
            bd = wv.astype(jnp.bfloat16).astype(jnp.float32)
            bi = wi
        else:
            take = bd <= wv
            bi = jnp.where(take, bi, wi)
            bd = jnp.where(take, bd, wv).astype(jnp.bfloat16).astype(jnp.float32)
    idx_ref[0] = bi.astype(jnp.int32)


def _gather_body(d, rows_per_w, idx_rows_per_w,
                 idx_hbm, table_hbm, out_hbm, idx_v, rows_v, sem):
    wid = lax.axis_index("s") * _SC_CORES + lax.axis_index("c")
    pltpu.sync_copy(idx_hbm.at[pl.ds(wid * idx_rows_per_w, idx_rows_per_w)],
                    idx_v)
    copies = [pltpu.async_copy(table_hbm.at[idx_v.at[j]],
                               rows_v.at[pl.ds(j * _IDXW, _IDXW)], sem)
              for j in range(idx_rows_per_w)]
    for c in copies:
        c.wait()
    pltpu.sync_copy(rows_v, out_hbm.at[pl.ds(wid * rows_per_w, rows_per_w)])


def _decode_body(nb, ndtok,
                 zqa_ref, zqb_ref, zea_ref, zeb_ref,
                 vout_ref, gout_ref, bout_ref,
                 out_ref, loss_ref):
    b = pl.program_id(0)
    sel = b < nb // 2
    v = vout_ref[...]
    norm = jnp.sqrt(jnp.sum(v * v, axis=1, keepdims=True))
    w = gout_ref[...] * v / norm
    zq = jnp.where(sel, zqa_ref[0], zqb_ref[0])[:, :v.shape[1]]
    out = lax.dot_general(w, zq, (((1,), (1,)), ((), ())))
    out_ref[0] = out + bout_ref[...]

    ze = jnp.where(sel, zea_ref[0], zeb_ref[0])
    m = lax.dot_general(ze, zq, (((1,), (0,)), ((), ())))
    d = m.shape[0]
    eye = (lax.broadcasted_iota(jnp.int32, (d, d), 0)
           == lax.broadcasted_iota(jnp.int32, (d, d), 1))
    cross = jnp.sum(jnp.where(eye, m, 0.0))
    part = jnp.sum(ze * ze) + jnp.sum(zq * zq) - 2.0 * cross

    @pl.when(b == 0)
    def _():
        loss_ref[...] = jnp.zeros((1, 1), jnp.float32)

    loss_ref[...] = loss_ref[...] + jnp.reshape(part, (1, 1))

    @pl.when(b == nb - 1)
    def _():
        mean = loss_ref[...] / jnp.float32(ndtok)
        loss_ref[...] = mean + 0.25 * mean


def kernel(z, in_proj_v, in_proj_g, in_proj_b,
           out_proj_v, out_proj_g, out_proj_b, codebook):
    B, CIN, H, W = z.shape
    CB, D = codebook.shape
    NTOK = H * W
    CHUNK = 2048
    NCHUNK = CB // CHUNK
    TB = 1024
    TSPLIT = NTOK // TB
    NT = B * TSPLIT

    z3 = z.reshape(B, CIN, NTOK)
    vin = in_proj_v.reshape(D, CIN)
    gin = in_proj_g.reshape(D, 1)
    bin_ = in_proj_b.reshape(D, 1)
    vout = out_proj_v.reshape(CIN, D)
    gout = out_proj_g.reshape(CIN, 1)
    bout = out_proj_b.reshape(CIN, 1)

    BH = B // 2

    def encode_half(boff, emit_pad):
        out_specs = [
            pl.BlockSpec((1, D, TB), lambda t: (t, 0, 0)),
            pl.BlockSpec((1, 1, TB), lambda t: (t, 0, 0)),
        ]
        out_shape = [
            jax.ShapeDtypeStruct((BH, D, NTOK), jnp.float32),
            jax.ShapeDtypeStruct((BH, 1, NTOK), jnp.int32),
        ]
        if emit_pad:
            out_specs.append(pl.BlockSpec((CB, 128), lambda t: (0, 0)))
            out_shape.append(jax.ShapeDtypeStruct((CB, 128), jnp.float32))
        return pl.pallas_call(
            functools.partial(_encode_body, NCHUNK, CHUNK, TB, emit_pad),
            grid=(BH,),
            in_specs=[
                pl.BlockSpec((1, CIN, TB), lambda t: (t + boff, 0, 0)),
                pl.BlockSpec((D, CIN), lambda t: (0, 0)),
                pl.BlockSpec((D, 1), lambda t: (0, 0)),
                pl.BlockSpec((D, 1), lambda t: (0, 0)),
                pl.BlockSpec((CB, D), lambda t: (0, 0)),
            ],
            out_specs=out_specs,
            out_shape=out_shape,
            compiler_params=pltpu.CompilerParams(
                dimension_semantics=("arbitrary",)),
        )(z3, vin, gin, bin_, codebook)

    ze_a, idx_a, cb_pad = encode_half(0, True)
    ze_b, idx_b = encode_half(BH, False)

    nth = BH * NTOK
    rows_per_w = nth // _NW
    idx_rows_per_w = rows_per_w // _IDXW

    def gather_half(idx_h):
        return pl.kernel(
            functools.partial(_gather_body, D, rows_per_w, idx_rows_per_w),
            mesh=plsc.VectorSubcoreMesh(core_axis_name="c",
                                        subcore_axis_name="s"),
            out_type=jax.ShapeDtypeStruct((nth, 128), jnp.float32),
            scratch_types=[
                pltpu.VMEM((idx_rows_per_w, _IDXW), jnp.int32),
                pltpu.VMEM((rows_per_w, 128), jnp.float32),
                pltpu.SemaphoreType.DMA,
            ],
        )(idx_h.reshape(nth // _IDXW, _IDXW), cb_pad)

    zq_a = gather_half(idx_a)
    zq_b = gather_half(idx_b)

    zqa3 = zq_a.reshape(BH, NTOK, 128)
    zqb3 = zq_b.reshape(BH, NTOK, 128)
    out3, loss = pl.pallas_call(
        functools.partial(_decode_body, B, B * D * NTOK),
        grid=(B,),
        in_specs=[
            pl.BlockSpec((1, NTOK, 128),
                         lambda b: (jnp.minimum(b, BH - 1), 0, 0)),
            pl.BlockSpec((1, NTOK, 128),
                         lambda b: (jnp.maximum(b - BH, 0), 0, 0)),
            pl.BlockSpec((1, D, NTOK),
                         lambda b: (jnp.minimum(b, BH - 1), 0, 0)),
            pl.BlockSpec((1, D, NTOK),
                         lambda b: (jnp.maximum(b - BH, 0), 0, 0)),
            pl.BlockSpec((CIN, D), lambda b: (0, 0)),
            pl.BlockSpec((CIN, 1), lambda b: (0, 0)),
            pl.BlockSpec((CIN, 1), lambda b: (0, 0)),
        ],
        out_specs=[
            pl.BlockSpec((1, CIN, NTOK), lambda b: (b, 0, 0)),
            pl.BlockSpec((1, 1), lambda b: (0, 0)),
        ],
        out_shape=[
            jax.ShapeDtypeStruct((B, CIN, NTOK), jnp.float32),
            jax.ShapeDtypeStruct((1, 1), jnp.float32),
        ],
        compiler_params=pltpu.CompilerParams(
            dimension_semantics=("arbitrary",)),
    )(zqa3, zqb3, ze_a, ze_b, vout, gout, bout)

    out = out3.reshape(B, CIN, H, W)
    indices = jnp.concatenate([idx_a, idx_b], axis=0).reshape(B, H, W)
    vq_loss = loss[0, 0]
    return out, indices, vq_loss

# --- scband reference (transcript-rebuilt; emitter-appended) ---
"""Pipeline reference for scband-vector-quantize2d-52312701665799 (READ-ONLY COPY).

The authoritative reference and input builder live on the scoring server;
editing this copy changes nothing except your own understanding.
"""

import jax, jax.numpy as jnp
import numpy as np


def _wn_conv1x1(x, v, g, b):
    # PyTorch weight_norm (dim=0): w = g * v / ||v||, norm over (in, kh, kw) per out-channel
    norm = jnp.sqrt(jnp.sum(v * v, axis=(1, 2, 3), keepdims=True))
    w = (g * v / norm)[:, :, 0, 0]  # (out, in)
    y = jnp.einsum('bchw,oc->bohw', x, w) + b[None, :, None, None]
    return y


def setup_inputs(seed: int = 0) -> dict:
    key = jax.random.key(seed)
    ks = jax.random.split(key, 8)
    input_dim, codebook_size, codebook_dim = 384, 8192, 64
    return {
        'z': jax.random.normal(ks[0], (8, input_dim, 32, 32), dtype=jnp.float32),
        'in_proj_v': jax.random.normal(ks[1], (codebook_dim, input_dim, 1, 1), dtype=jnp.float32) * 0.05,
        'in_proj_g': jnp.ones((codebook_dim, 1, 1, 1), dtype=jnp.float32),
        'in_proj_b': jnp.zeros((codebook_dim,), dtype=jnp.float32),
        'out_proj_v': jax.random.normal(ks[2], (input_dim, codebook_dim, 1, 1), dtype=jnp.float32) * 0.05,
        'out_proj_g': jnp.ones((input_dim, 1, 1, 1), dtype=jnp.float32),
        'out_proj_b': jnp.zeros((input_dim,), dtype=jnp.float32),
        'codebook': jax.random.normal(ks[3], (codebook_size, codebook_dim), dtype=jnp.float32) * 0.02,
    }


def reference(z, in_proj_v, in_proj_g, in_proj_b, out_proj_v, out_proj_g, out_proj_b, codebook):
    commitment_weight = 0.25
    # stride = (1, 1): no avg_pool / interpolate
    z_e = _wn_conv1x1(z, in_proj_v, in_proj_g, in_proj_b)  # (B, D, H, W)
    B, D, Hp, Wp = z_e.shape
    z_e_flat = jnp.transpose(z_e, (0, 2, 3, 1)).reshape(-1, D)  # (B*H*W, D)
    distances = (jnp.sum(z_e_flat ** 2, axis=1, keepdims=True)
                 - 2.0 * z_e_flat @ codebook.T
                 + jnp.sum(codebook ** 2, axis=1)[None, :])
    indices_flat = jnp.argmin(distances, axis=1)
    indices = indices_flat.reshape(B, Hp, Wp)
    z_q_flat = jnp.take(codebook, indices_flat, axis=0)  # embedding gather
    z_q = jnp.transpose(z_q_flat.reshape(B, Hp, Wp, D), (0, 3, 1, 2))
    sg = jax.lax.stop_gradient
    commitment_loss = jnp.mean((sg(z_e) - z_q) ** 2)
    codebook_loss = jnp.mean((sg(z_q) - z_e) ** 2)
    vq_loss = codebook_loss + commitment_weight * commitment_loss
    z_q_st = z_e + sg(z_q - z_e)  # straight-through
    out = _wn_conv1x1(z_q_st, out_proj_v, out_proj_g, out_proj_b)
    return (out, indices, vq_loss)

if __name__ == "__main__":
    import jax
    _d = setup_inputs()
    print(jax.jit(kernel)(*tuple(_d.values())))

</pallas_src>

<mosaic_0001>
#map = affine_map<(d0, d1) -> (0, 0)>
module attributes {stable_mosaic.version = 14 : i64} {
  func.func @_gather_body(%arg0: i32, %arg1: i32, %arg2: memref<32x128xi32, #tpu.memory_space<hbm>>, %arg3: memref<8192x128xf32, #tpu.memory_space<hbm>>, %arg4: memref<4096x128xf32, #tpu.memory_space<hbm>>, %arg5: memref<1x128xi32, #tpu.memory_space<vmem>>, %arg6: memref<128x128xf32, #tpu.memory_space<vmem>>, %arg7: memref<!tpu.dma_semaphore, #tpu.memory_space<semaphore_mem>>) attributes {dimension_semantics = [#tpu.dimension_semantics<core_parallel>, #tpu.dimension_semantics<subcore_parallel>], iteration_bounds = array<i64: 2, 16>, scalar_prefetch = 0 : i64, scratch_operands = 3 : i64, tpu.core_type = #tpu.core_type<sc_vector_subcore>, window_params = [{transform_indices = #map}, {transform_indices = #map}, {transform_indices = #map}]} {
    %mul3A = arith.constant 2 : i32
    %mul3A_0 = arith.muli %arg1, %mul3A : i32
    %add3A = arith.addi %mul3A_0, %arg0 : i32
    %mul3A_1 = arith.constant 1 : i32
    %mul3A_2 = arith.muli %add3A, %mul3A_1 : i32
    "tpu.region"() ({
      %run_scoped3A = tpu.sem_alloc : memref<!tpu.dma_semaphore, #tpu.memory_space<semaphore_mem>>
      %dma_start3A_23 = arith.constant 0 : i32
      %dma_start3A_24 = tpu.memref_slice %arg2[%mul3A_2, %dma_start3A_23] : memref<32x128xi32, #tpu.memory_space<hbm>> -> memref<1x128xi32, #tpu.memory_space<hbm>>
      %dma_start3A_25 = arith.constant 0 : i32
      %dma_start3A_26 = tpu.memref_slice %arg2[%mul3A_2, %dma_start3A_25] : memref<32x128xi32, #tpu.memory_space<hbm>> -> memref<1x128xi32, #tpu.memory_space<hbm>>
      tpu.enqueue_dma source(%dma_start3A_26 : memref<1x128xi32, #tpu.memory_space<hbm>>) target(%arg5 : memref<1x128xi32, #tpu.memory_space<vmem>>) target_semaphore(%run_scoped3A : memref<!tpu.dma_semaphore, #tpu.memory_space<semaphore_mem>>)
      %dma_wait3A_27 = arith.constant 0 : i32
      %dma_wait3A_28 = tpu.memref_slice %arg2[%mul3A_2, %dma_wait3A_27] : memref<32x128xi32, #tpu.memory_space<hbm>> -> memref<1x128xi32, #tpu.memory_space<hbm>>
      %dma_wait3A_29 = arith.constant 0 : i32
      %dma_wait3A_30 = tpu.memref_slice %arg2[%mul3A_2, %dma_wait3A_29] : memref<32x128xi32, #tpu.memory_space<hbm>> -> memref<1x128xi32, #tpu.memory_space<hbm>>
      tpu.wait_dma2 semaphore(%run_scoped3A : memref<!tpu.dma_semaphore, #tpu.memory_space<semaphore_mem>>) src(%dma_wait3A_30 : memref<1x128xi32, #tpu.memory_space<hbm>>) dst(%arg5 : memref<1x128xi32, #tpu.memory_space<vmem>>)
      tpu.yield
    }) : () -> ()
    %dma_start3A = arith.constant 0 : i32
    %dma_start3A_3 = arith.constant 0 : i32
    %dma_start3A_4 = arith.constant 0 : i32
    %dma_start3A_5 = tpu.memref_slice %arg6[%dma_start3A_3, %dma_start3A_4] : memref<128x128xf32, #tpu.memory_space<vmem>> -> memref<128x128xf32, #tpu.memory_space<vmem>>
    %dma_start3A_6 = arith.constant 0 : i32
    %dma_start3A_7 = tpu.memref_slice %arg5[%dma_start3A, %dma_start3A_6] : memref<1x128xi32, #tpu.memory_space<vmem>> -> memref<1x128xi32, #tpu.memory_space<vmem>>
    %dma_start3A_8 = tpu.memref_squeeze %dma_start3A_7 : memref<1x128xi32, #tpu.memory_space<vmem>> -> memref<128xi32, #tpu.memory_space<vmem>>
    %dma_start3A_9 = arith.constant 0 : i32
    %dma_start3A_10 = arith.constant 0 : i32
    %dma_start3A_11 = tpu.memref_slice %arg3[%dma_start3A_9, %dma_start3A_10] : memref<8192x128xf32, #tpu.memory_space<hbm>> -> memref<8192x128xf32, #tpu.memory_space<hbm>>
    tpu.enqueue_indirect_dma source(%dma_start3A_11 : memref<8192x128xf32, #tpu.memory_space<hbm>>) target(%dma_start3A_5 : memref<128x128xf32, #tpu.memory_space<vmem>>) offsets(%dma_start3A_8 : memref<128xi32, #tpu.memory_space<vmem>>) semaphore(%arg7 : memref<!tpu.dma_semaphore, #tpu.memory_space<semaphore_mem>>)
    %dma_wait3A = arith.constant 0 : i32
    %dma_wait3A_12 = arith.constant 0 : i32
    %dma_wait3A_13 = arith.constant 0 : i32
    %dma_wait3A_14 = tpu.memref_slice %arg6[%dma_wait3A_12, %dma_wait3A_13] : memref<128x128xf32, #tpu.memory_space<vmem>> -> memref<128x128xf32, #tpu.memory_space<vmem>>
    %dma_wait3A_15 = arith.constant 0 : i32
    %dma_wait3A_16 = tpu.memref_slice %arg5[%dma_wait3A, %dma_wait3A_15] : memref<1x128xi32, #tpu.memory_space<vmem>> -> memref<1x128xi32, #tpu.memory_space<vmem>>
    %dma_wait3A_17 = tpu.memref_squeeze %dma_wait3A_16 : memref<1x128xi32, #tpu.memory_space<vmem>> -> memref<128xi32, #tpu.memory_space<vmem>>
    %dma_wait3A_18 = arith.constant 0 : i32
    %dma_wait3A_19 = arith.constant 0 : i32
    %dma_wait3A_20 = tpu.memref_slice %arg3[%dma_wait3A_18, %dma_wait3A_19] : memref<8192x128xf32, #tpu.memory_space<hbm>> -> memref<8192x128xf32, #tpu.memory_space<hbm>>
    tpu.wait_indirect_dma semaphore(%arg7 : memref<!tpu.dma_semaphore, #tpu.memory_space<semaphore_mem>>) src(%dma_wait3A_20 : memref<8192x128xf32, #tpu.memory_space<hbm>>) dst(%dma_wait3A_14 : memref<128x128xf32, #tpu.memory_space<vmem>>)
    %mul3A_21 = arith.constant 128 : i32
    %mul3A_22 = arith.muli %add3A, %mul3A_21 : i32
    "tpu.region"() ({
      %run_scoped3A = tpu.sem_alloc : memref<!tpu.dma_semaphore, #tpu.memory_space<semaphore_mem>>
      %dma_start3A_23 = arith.constant 0 : i32
      %dma_start3A_24 = tpu.memref_slice %arg4[%mul3A_22, %dma_start3A_23] : memref<4096x128xf32, #tpu.memory_space<hbm>> -> memref<128x128xf32, #tpu.memory_space<hbm>>
      %dma_start3A_25 = arith.constant 0 : i32
      %dma_start3A_26 = tpu.memref_slice %arg4[%mul3A_22, %dma_start3A_25] : memref<4096x128xf32, #tpu.memory_space<hbm>> -> memref<128x128xf32, #tpu.memory_space<hbm>>
      tpu.enqueue_dma source(%arg6 : memref<128x128xf32, #tpu.memory_space<vmem>>) target(%dma_start3A_26 : memref<128x128xf32, #tpu.memory_space<hbm>>) target_semaphore(%run_scoped3A : memref<!tpu.dma_semaphore, #tpu.memory_space<semaphore_mem>>)
      %dma_wait3A_27 = arith.constant 0 : i32
      %dma_wait3A_28 = tpu.memref_slice %arg4[%mul3A_22, %dma_wait3A_27] : memref<4096x128xf32, #tpu.memory_space<hbm>> -> memref<128x128xf32, #tpu.memory_space<hbm>>
      %dma_wait3A_29 = arith.constant 0 : i32
      %dma_wait3A_30 = tpu.memref_slice %arg4[%mul3A_22, %dma_wait3A_29] : memref<4096x128xf32, #tpu.memory_space<hbm>> -> memref<128x128xf32, #tpu.memory_space<hbm>>
      tpu.wait_dma2 semaphore(%run_scoped3A : memref<!tpu.dma_semaphore, #tpu.memory_space<semaphore_mem>>) src(%arg6 : memref<128x128xf32, #tpu.memory_space<vmem>>) dst(%dma_wait3A_30 : memref<128x128xf32, #tpu.memory_space<hbm>>)
      tpu.yield
    }) : () -> ()
    return
  }
}

#map = affine_map<(d0, d1) -> (0, 0)>
module attributes {stable_mosaic.version = 14 : i64} {
  func.func @_gather_body(%arg0: i32, %arg1: i32, %arg2: memref<32x128xi32, #tpu.memory_space<hbm>>, %arg3: memref<8192x128xf32, #tpu.memory_space<hbm>>, %arg4: memref<4096x128xf32, #tpu.memory_space<hbm>>, %arg5: memref<1x128xi32, #tpu.memory_space<vmem>>, %arg6: memref<128x128xf32, #tpu.memory_space<vmem>>, %arg7: memref<!tpu.dma_semaphore, #tpu.memory_space<semaphore_mem>>) attributes {dimension_semantics = [#tpu.dimension_semantics<core_parallel>, #tpu.dimension_semantics<subcore_parallel>], iteration_bounds = array<i64: 2, 16>, scalar_prefetch = 0 : i64, scratch_operands = 3 : i64, tpu.core_type = #tpu.core_type<sc_vector_subcore>, window_params = [{transform_indices = #map}, {transform_indices = #map}, {transform_indices = #map}]} {
    %mul3A = arith.constant 2 : i32
    %mul3A_0 = arith.muli %arg1, %mul3A : i32
    %add3A = arith.addi %mul3A_0, %arg0 : i32
    %mul3A_1 = arith.constant 1 : i32
    %mul3A_2 = arith.muli %add3A, %mul3A_1 : i32
    "tpu.region"() ({
      %run_scoped3A = tpu.sem_alloc : memref<!tpu.dma_semaphore, #tpu.memory_space<semaphore_mem>>
      %dma_start3A_23 = arith.constant 0 : i32
      %dma_start3A_24 = tpu.memref_slice %arg2[%mul3A_2, %dma_start3A_23] : memref<32x128xi32, #tpu.memory_space<hbm>> -> memref<1x128xi32, #tpu.memory_space<hbm>>
      %dma_start3A_25 = arith.constant 0 : i32
      %dma_start3A_26 = tpu.memref_slice %arg2[%mul3A_2, %dma_start3A_25] : memref<32x128xi32, #tpu.memory_space<hbm>> -> memref<1x128xi32, #tpu.memory_space<hbm>>
      tpu.enqueue_dma source(%dma_start3A_26 : memref<1x128xi32, #tpu.memory_space<hbm>>) target(%arg5 : memref<1x128xi32, #tpu.memory_space<vmem>>) target_semaphore(%run_scoped3A : memref<!tpu.dma_semaphore, #tpu.memory_space<semaphore_mem>>)
      %dma_wait3A_27 = arith.constant 0 : i32
      %dma_wait3A_28 = tpu.memref_slice %arg2[%mul3A_2, %dma_wait3A_27] : memref<32x128xi32, #tpu.memory_space<hbm>> -> memref<1x128xi32, #tpu.memory_space<hbm>>
      %dma_wait3A_29 = arith.constant 0 : i32
      %dma_wait3A_30 = tpu.memref_slice %arg2[%mul3A_2, %dma_wait3A_29] : memref<32x128xi32, #tpu.memory_space<hbm>> -> memref<1x128xi32, #tpu.memory_space<hbm>>
      tpu.wait_dma2 semaphore(%run_scoped3A : memref<!tpu.dma_semaphore, #tpu.memory_space<semaphore_mem>>) src(%dma_wait3A_30 : memref<1x128xi32, #tpu.memory_space<hbm>>) dst(%arg5 : memref<1x128xi32, #tpu.memory_space<vmem>>)
      tpu.yield
    }) : () -> ()
    %dma_start3A = arith.constant 0 : i32
    %dma_start3A_3 = arith.constant 0 : i32
    %dma_start3A_4 = arith.constant 0 : i32
    %dma_start3A_5 = tpu.memref_slice %arg6[%dma_start3A_3, %dma_start3A_4] : memref<128x128xf32, #tpu.memory_space<vmem>> -> memref<128x128xf32, #tpu.memory_space<vmem>>
    %dma_start3A_6 = arith.constant 0 : i32
    %dma_start3A_7 = tpu.memref_slice %arg5[%dma_start3A, %dma_start3A_6] : memref<1x128xi32, #tpu.memory_space<vmem>> -> memref<1x128xi32, #tpu.memory_space<vmem>>
    %dma_start3A_8 = tpu.memref_squeeze %dma_start3A_7 : memref<1x128xi32, #tpu.memory_space<vmem>> -> memref<128xi32, #tpu.memory_space<vmem>>
    %dma_start3A_9 = arith.constant 0 : i32
    %dma_start3A_10 = arith.constant 0 : i32
    %dma_start3A_11 = tpu.memref_slice %arg3[%dma_start3A_9, %dma_start3A_10] : memref<8192x128xf32, #tpu.memory_space<hbm>> -> memref<8192x128xf32, #tpu.memory_space<hbm>>
    tpu.enqueue_indirect_dma source(%dma_start3A_11 : memref<8192x128xf32, #tpu.memory_space<hbm>>) target(%dma_start3A_5 : memref<128x128xf32, #tpu.memory_space<vmem>>) offsets(%dma_start3A_8 : memref<128xi32, #tpu.memory_space<vmem>>) semaphore(%arg7 : memref<!tpu.dma_semaphore, #tpu.memory_space<semaphore_mem>>)
    %dma_wait3A = arith.constant 0 : i32
    %dma_wait3A_12 = arith.constant 0 : i32
    %dma_wait3A_13 = arith.constant 0 : i32
    %dma_wait3A_14 = tpu.memref_slice %arg6[%dma_wait3A_12, %dma_wait3A_13] : memref<128x128xf32, #tpu.memory_space<vmem>> -> memref<128x128xf32, #tpu.memory_space<vmem>>
    %dma_wait3A_15 = arith.constant 0 : i32
    %dma_wait3A_16 = tpu.memref_slice %arg5[%dma_wait3A, %dma_wait3A_15] : memref<1x128xi32, #tpu.memory_space<vmem>> -> memref<1x128xi32, #tpu.memory_space<vmem>>
    %dma_wait3A_17 = tpu.memref_squeeze %dma_wait3A_16 : memref<1x128xi32, #tpu.memory_space<vmem>> -> memref<128xi32, #tpu.memory_space<vmem>>
    %dma_wait3A_18 = arith.constant 0 : i32
    %dma_wait3A_19 = arith.constant 0 : i32
    %dma_wait3A_20 = tpu.memref_slice %arg3[%dma_wait3A_18, %dma_wait3A_19] : memref<8192x128xf32, #tpu.memory_space<hbm>> -> memref<8192x128xf32, #tpu.memory_space<hbm>>
    tpu.wait_indirect_dma semaphore(%arg7 : memref<!tpu.dma_semaphore, #tpu.memory_space<semaphore_mem>>) src(%dma_wait3A_20 : memref<8192x128xf32, #tpu.memory_space<hbm>>) dst(%dma_wait3A_14 : memref<128x128xf32, #tpu.memory_space<vmem>>)
    %mul3A_21 = arith.constant 128 : i32
    %mul3A_22 = arith.muli %add3A, %mul3A_21 : i32
    "tpu.region"() ({
      %run_scoped3A = tpu.sem_alloc : memref<!tpu.dma_semaphore, #tpu.memory_space<semaphore_mem>>
      %dma_start3A_23 = arith.constant 0 : i32
      %dma_start3A_24 = tpu.memref_slice %arg4[%mul3A_22, %dma_start3A_23] : memref<4096x128xf32, #tpu.memory_space<hbm>> -> memref<128x128xf32, #tpu.memory_space<hbm>>
      %dma_start3A_25 = arith.constant 0 : i32
      %dma_start3A_26 = tpu.memref_slice %arg4[%mul3A_22, %dma_start3A_25] : memref<4096x128xf32, #tpu.memory_space<hbm>> -> memref<128x128xf32, #tpu.memory_space<hbm>>
      tpu.enqueue_dma source(%arg6 : memref<128x128xf32, #tpu.memory_space<vmem>>) target(%dma_start3A_26 : memref<128x128xf32, #tpu.memory_space<hbm>>) target_semaphore(%run_scoped3A : memref<!tpu.dma_semaphore, #tpu.memory_space<semaphore_mem>>)
      %dma_wait3A_27 = arith.constant 0 : i32
      %dma_wait3A_28 = tpu.memref_slice %arg4[%mul3A_22, %dma_wait3A_27] : memref<4096x128xf32, #tpu.memory_space<hbm>> -> memref<128x128xf32, #tpu.memory_space<hbm>>
      %dma_wait3A_29 = arith.constant 0 : i32
      %dma_wait3A_30 = tpu.memref_slice %arg4[%mul3A_22, %dma_wait3A_29] : memref<4096x128xf32, #tpu.memory_space<hbm>> -> memref<128x128xf32, #tpu.memory_space<hbm>>
      tpu.wait_dma2 semaphore(%run_scoped3A : memref<!tpu.dma_semaphore, #tpu.memory_space<semaphore_mem>>) src(%arg6 : memref<128x128xf32, #tpu.memory_space<vmem>>) dst(%dma_wait3A_30 : memref<128x128xf32, #tpu.memory_space<hbm>>)
      tpu.yield
    }) : () -> ()
    return
  }
}

module attributes {stable_mosaic.version = 14 : i64} {
  func.func @_encode_body(%arg0: i32, %arg1: memref<1x384x1024xf32, #tpu.memory_space<vmem>>, %arg2: memref<64x384xf32, #tpu.memory_space<vmem>>, %arg3: memref<64x1xf32, #tpu.memory_space<vmem>>, %arg4: memref<64x1xf32, #tpu.memory_space<vmem>>, %arg5: memref<8192x64xf32, #tpu.memory_space<vmem>>, %arg6: memref<1x64x1024xf32, #tpu.memory_space<vmem>>, %arg7: memref<1x1x1024xi32, #tpu.memory_space<vmem>>, %arg8: memref<8192x128xf32, #tpu.memory_space<vmem>>) attributes {dimension_semantics = [#tpu.dimension_semantics<arbitrary>], iteration_bounds = array<i64: 4>, scalar_prefetch = 0 : i64, scratch_operands = 0 : i64, tpu.core_type = #tpu.core_type<tc>, window_params = [{transform_indices = @transform_0, window_bounds = array<i64: 1, 384, 1024>}, {pipeline_mode = #tpu.pipeline_mode<synchronous>, transform_indices = @transform_1, window_bounds = array<i64: 64, 384>}, {pipeline_mode = #tpu.pipeline_mode<synchronous>, transform_indices = @transform_2, window_bounds = array<i64: 64, 1>}, {pipeline_mode = #tpu.pipeline_mode<synchronous>, transform_indices = @transform_3, window_bounds = array<i64: 64, 1>}, {pipeline_mode = #tpu.pipeline_mode<synchronous>, transform_indices = @transform_4, window_bounds = array<i64: 8192, 64>}, {transform_indices = @transform_5, window_bounds = array<i64: 1, 64, 1024>}, {transform_indices = @transform_6, window_bounds = array<i64: 1, 1, 1024>}, {pipeline_mode = #tpu.pipeline_mode<synchronous>, transform_indices = @transform_7, window_bounds = array<i64: 8192, 128>}]} {
    %eq3A = arith.constant 0 : i32
    %eq3A_0 = arith.cmpi eq, %arg0, %eq3A : i32
    %convert_element_type3A = arith.extui %eq3A_0 : i1 to i32
    %cond3A = arith.constant 0 : i32
    %cond3A_1 = arith.cmpi ne, %convert_element_type3A, %cond3A : i32
    scf.if %cond3A_1 {
      %get3A_596 = arith.constant 0 : index
      %get3A_597 = arith.constant 0 : index
      %get3A_598 = vector.load %arg5[%get3A_596, %get3A_597] : memref<8192x64xf32, #tpu.memory_space<vmem>>, vector<8192x64xf32>
      %swap3A_599 = arith.constant 0 : index
      %swap3A_600 = arith.constant 0 : index
      %swap3A_601 = vector.load %arg8[%swap3A_599, %swap3A_600] : memref<8192x128xf32, #tpu.memory_space<vmem>>, vector<8192x64xf32>
      tpu.vector_store %arg8[%swap3A_599, %swap3A_600], %get3A_598 {strides = array<i32>} : memref<8192x128xf32, #tpu.memory_space<vmem>>, vector<8192x64xf32>,
      %broadcast_in_dim3A_602 = arith.constant 0.000000e+00 : f32
      %broadcast_in_dim3A_603 = vector.broadcast %broadcast_in_dim3A_602 : f32 to vector<8192x64xf32>
      %swap3A_604 = arith.constant 0 : index
      %swap3A_605 = arith.constant 64 : index
      %swap3A_606 = vector.load %arg8[%swap3A_604, %swap3A_605] : memref<8192x128xf32, #tpu.memory_space<vmem>>, vector<8192x64xf32>
      tpu.vector_store %arg8[%swap3A_604, %swap3A_605], %broadcast_in_dim3A_603 {strides = array<i32>} : memref<8192x128xf32, #tpu.memory_space<vmem>>, vector<8192x64xf32>,
    } else {
    }
    %get3A = arith.constant 0 : index
    %get3A_2 = arith.constant 0 : index
    %get3A_3 = vector.load %arg2[%get3A, %get3A_2] : memref<64x384xf32, #tpu.memory_space<vmem>>, vector<64x384xf32>
    %mul3A = arith.mulf %get3A_3, %get3A_3 : vector<64x384xf32>
    %reduce_sum3A = arith.constant dense<0.000000e+00> : vector<64xf32>
    %reduce_sum3A_4 = vector.multi_reduction <add>, %mul3A, %reduce_sum3A [1] : vector<64x384xf32> to vector<64xf32>
    %broadcast_in_dim3A = vector.shape_cast %reduce_sum3A_4 : vector<64xf32> to vector<64x1xf32>
    %sqrt3A = math.sqrt %broadcast_in_dim3A : vector<64x1xf32>
    %get3A_5 = arith.constant 0 : index
    %get3A_6 = arith.constant 0 : index
    %get3A_7 = vector.load %arg3[%get3A_5, %get3A_6] : memref<64x1xf32, #tpu.memory_space<vmem>>, vector<64x1xf32>
    %mul3A_8 = vector.broadcast %get3A_7 : vector<64x1xf32> to vector<64x384xf32>
    %mul3A_9 = arith.mulf %mul3A_8, %get3A_3 : vector<64x384xf32>
    %div3A = vector.broadcast %sqrt3A : vector<64x1xf32> to vector<64x384xf32>
    %div3A_10 = arith.divf %mul3A_9, %div3A : vector<64x384xf32>
    %get3A_11 = arith.constant 0 : index
    %get3A_12 = arith.constant 0 : index
    %get3A_13 = arith.constant 0 : index
    %get3A_14 = vector.load %arg1[%get3A_11, %get3A_12, %get3A_13] : memref<1x384x1024xf32, #tpu.memory_space<vmem>>, vector<1x384x1024xf32>
    %get3A_15 = vector.shape_cast %get3A_14 : vector<1x384x1024xf32> to vector<384x1024xf32>
    %dot_general3A = arith.constant dense<0.000000e+00> : vector<64x1024xf32>
    %dot_general3A_16 = tpu.matmul %div3A_10, %get3A_15, %dot_general3A {dimension_numbers = #tpu.dot_dimension_numbers<[1], [0], [0], [1], [0, 0, 1, 1], [], []>, transpose_lhs_hint = false} : vector<64x384xf32>, vector<384x1024xf32>, vector<64x1024xf32> -> vector<64x1024xf32>
    %get3A_17 = arith.constant 0 : index
    %get3A_18 = arith.constant 0 : index
    %get3A_19 = vector.load %arg4[%get3A_17, %get3A_18] : memref<64x1xf32, #tpu.memory_space<vmem>>, vector<64x1xf32>
    %add3A = vector.broadcast %get3A_19 : vector<64x1xf32> to vector<64x1024xf32>
    %add3A_20 = arith.addf %dot_general3A_16, %add3A : vector<64x1024xf32>
    %swap3A = arith.constant 0 : index
    %swap3A_21 = arith.constant 0 : index
    %swap3A_22 = arith.constant 0 : index
    %swap3A_23 = vector.load %arg6[%swap3A, %swap3A_21, %swap3A_22] : memref<1x64x1024xf32, #tpu.memory_space<vmem>>, vector<1x64x1024xf32>
    %swap3A_24 = vector.shape_cast %swap3A_23 : vector<1x64x1024xf32> to vector<64x1024xf32>
    %swap3A_25 = vector.shape_cast %add3A_20 : vector<64x1024xf32> to vector<1x64x1024xf32>
    tpu.vector_store %arg6[%swap3A, %swap3A_21, %swap3A_22], %swap3A_25 {strides = array<i32>} : memref<1x64x1024xf32, #tpu.memory_space<vmem>>, vector<1x64x1024xf32>,
    %mul3A_26 = arith.constant 2.000000e+00 : f32
    %mul3A_27 = vector.broadcast %mul3A_26 : f32 to vector<64x1024xf32>
    %mul3A_28 = arith.mulf %mul3A_27, %add3A_20 : vector<64x1024xf32>
    %convert_element_type3A_29 = arith.truncf %mul3A_28 : vector<64x1024xf32> to vector<64x1024xbf16>
    %mul3A_30 = arith.mulf %add3A_20, %add3A_20 : vector<64x1024xf32>
    %reduce_sum3A_31 = arith.constant dense<0.000000e+00> : vector<1024xf32>
    %reduce_sum3A_32 = vector.multi_reduction <add>, %mul3A_30, %reduce_sum3A_31 [0] : vector<64x1024xf32> to vector<1024xf32>
    %broadcast_in_dim3A_33 = vector.shape_cast %reduce_sum3A_32 : vector<1024xf32> to vector<1x1024xf32>
    %iota3A = tpu.iota {dimensions = array<i32: 0>} : vector<512x1xi32>
    %convert_element_type3A_34 = arith.sitofp %iota3A : vector<512x1xi32> to vector<512x1xf32>
    %get3A_35 = arith.constant 0 : index
    %get3A_36 = arith.constant 0 : index
    %get3A_37 = vector.load %arg5[%get3A_35, %get3A_36] : memref<8192x64xf32, #tpu.memory_space<vmem>>, vector<512x64xf32>
    %mul3A_38 = arith.mulf %get3A_37, %get3A_37 : vector<512x64xf32>
    %reduce_sum3A_39 = arith.constant dense<0.000000e+00> : vector<512xf32>
    %reduce_sum3A_40 = vector.multi_reduction <add>, %mul3A_38, %reduce_sum3A_39 [1] : vector<512x64xf32> to vector<512xf32>
    %broadcast_in_dim3A_41 = vector.shape_cast %reduce_sum3A_40 : vector<512xf32> to vector<512x1xf32>
    %dot_general3A_42 = arith.constant dense<0.000000e+00> : vector<512x1024xf32>
    %dot_general3A_43 = tpu.matmul %get3A_37, %convert_element_type3A_29, %dot_general3A_42 {dimension_numbers = #tpu.dot_dimension_numbers<[1], [0], [0], [1], [0, 0, 1, 1], [], []>, transpose_lhs_hint = false} : vector<512x64xf32>, vector<64x1024xbf16>, vector<512x1024xf32> -> vector<512x1024xf32>
    %sub3A = vector.broadcast %broadcast_in_dim3A_33 : vector<1x1024xf32> to vector<512x1024xf32>
    %sub3A_44 = arith.subf %sub3A, %dot_general3A_43 : vector<512x1024xf32>
    %add3A_45 = vector.broadcast %broadcast_in_dim3A_41 : vector<512x1xf32> to vector<512x1024xf32>
    %add3A_46 = arith.addf %sub3A_44, %add3A_45 : vector<512x1024xf32>
    %reduce_min3A = arith.constant dense<0x7F800000> : vector<1024xf32>
    %reduce_min3A_47 = vector.multi_reduction <minimumf>, %add3A_46, %reduce_min3A [0] : vector<512x1024xf32> to vector<1024xf32>
    %broadcast_in_dim3A_48 = vector.shape_cast %reduce_min3A_47 : vector<1024xf32> to vector<1x1024xf32>
    %add3A_49 = arith.constant 0.000000e+00 : f32
    %add3A_50 = vector.broadcast %add3A_49 : f32 to vector<512x1xf32>
    %add3A_51 = arith.addf %convert_element_type3A_34, %add3A_50 : vector<512x1xf32>
    %eq3A_52 = vector.broadcast %broadcast_in_dim3A_48 : vector<1x1024xf32> to vector<512x1024xf32>
    %eq3A_53 = arith.cmpf oeq, %add3A_46, %eq3A_52 : vector<512x1024xf32>
    %jit3A = arith.constant 3.000000e+38 : f32
    %broadcast_in_dim3A_54 = vector.shape_cast %add3A_51 : vector<512x1xf32> to vector<512x1xf32>
    %broadcast_in_dim3A_55 = vector.broadcast %broadcast_in_dim3A_54 : vector<512x1xf32> to vector<512x1024xf32>
    %broadcast_in_dim3A_56 = vector.broadcast %jit3A : f32 to vector<512x1024xf32>
    %select_n3A = arith.select %eq3A_53, %broadcast_in_dim3A_55, %broadcast_in_dim3A_56 : vector<512x1024xi1>, vector<512x1024xf32>
    %reduce_min3A_57 = arith.constant dense<0x7F800000> : vector<1024xf32>
    %reduce_min3A_58 = vector.multi_reduction <minimumf>, %select_n3A, %reduce_min3A_57 [0] : vector<512x1024xf32> to vector<1024xf32>
    %broadcast_in_dim3A_59 = vector.shape_cast %reduce_min3A_58 : vector<1024xf32> to vector<1x1024xf32>
    %get3A_60 = arith.constant 512 : index
    %get3A_61 = arith.constant 0 : index
    %get3A_62 = vector.load %arg5[%get3A_60, %get3A_61] : memref<8192x64xf32, #tpu.memory_space<vmem>>, vector<512x64xf32>
    %mul3A_63 = arith.mulf %get3A_62, %get3A_62 : vector<512x64xf32>
    %reduce_sum3A_64 = arith.constant dense<0.000000e+00> : vector<512xf32>
    %reduce_sum3A_65 = vector.multi_reduction <add>, %mul3A_63, %reduce_sum3A_64 [1] : vector<512x64xf32> to vector<512xf32>
    %broadcast_in_dim3A_66 = vector.shape_cast %reduce_sum3A_65 : vector<512xf32> to vector<512x1xf32>
    %dot_general3A_67 = arith.constant dense<0.000000e+00> : vector<512x1024xf32>
    %dot_general3A_68 = tpu.matmul %get3A_62, %convert_element_type3A_29, %dot_general3A_67 {dimension_numbers = #tpu.dot_dimension_numbers<[1], [0], [0], [1], [0, 0, 1, 1], [], []>, transpose_lhs_hint = false} : vector<512x64xf32>, vector<64x1024xbf16>, vector<512x1024xf32> -> vector<512x1024xf32>
    %sub3A_69 = vector.broadcast %broadcast_in_dim3A_33 : vector<1x1024xf32> to vector<512x1024xf32>
    %sub3A_70 = arith.subf %sub3A_69, %dot_general3A_68 : vector<512x1024xf32>
    %add3A_71 = vector.broadcast %broadcast_in_dim3A_66 : vector<512x1xf32> to vector<512x1024xf32>
    %add3A_72 = arith.addf %sub3A_70, %add3A_71 : vector<512x1024xf32>
    %reduce_min3A_73 = arith.constant dense<0x7F800000> : vector<1024xf32>
    %reduce_min3A_74 = vector.multi_reduction <minimumf>, %add3A_72, %reduce_min3A_73 [0] : vector<512x1024xf32> to vector<1024xf32>
    %broadcast_in_dim3A_75 = vector.shape_cast %reduce_min3A_74 : vector<1024xf32> to vector<1x1024xf32>
    %add3A_76 = arith.constant 5.120000e+02 : f32
    %add3A_77 = vector.broadcast %add3A_76 : f32 to vector<512x1xf32>
    %add3A_78 = arith.addf %convert_element_type3A_34, %add3A_77 : vector<512x1xf32>
    %eq3A_79 = vector.broadcast %broadcast_in_dim3A_75 : vector<1x1024xf32> to vector<512x1024xf32>
    %eq3A_80 = arith.cmpf oeq, %add3A_72, %eq3A_79 : vector<512x1024xf32>
    %jit3A_81 = arith.constant 3.000000e+38 : f32
    %broadcast_in_dim3A_82 = vector.shape_cast %add3A_78 : vector<512x1xf32> to vector<512x1xf32>
    %broadcast_in_dim3A_83 = vector.broadcast %broadcast_in_dim3A_82 : vector<512x1xf32> to vector<512x1024xf32>
    %broadcast_in_dim3A_84 = vector.broadcast %jit3A_81 : f32 to vector<512x1024xf32>
    %select_n3A_85 = arith.select %eq3A_80, %broadcast_in_dim3A_83, %broadcast_in_dim3A_84 : vector<512x1024xi1>, vector<512x1024xf32>
    %reduce_min3A_86 = arith.constant dense<0x7F800000> : vector<1024xf32>
    %reduce_min3A_87 = vector.multi_reduction <minimumf>, %select_n3A_85, %reduce_min3A_86 [0] : vector<512x1024xf32> to vector<1024xf32>
    %broadcast_in_dim3A_88 = vector.shape_cast %reduce_min3A_87 : vector<1024xf32> to vector<1x1024xf32>
    %lt3A = arith.cmpf olt, %broadcast_in_dim3A_48, %broadcast_in_dim3A_75 : vector<1x1024xf32>
    %eq3A_89 = arith.cmpf oeq, %broadcast_in_dim3A_48, %broadcast_in_dim3A_75 : vector<1x1024xf32>
    %le3A = arith.cmpf ole, %broadcast_in_dim3A_59, %broadcast_in_dim3A_88 : vector<1x1024xf32>
    %and3A = arith.andi %eq3A_89, %le3A : vector<1x1024xi1>
    %or3A = arith.ori %lt3A, %and3A : vector<1x1024xi1>
    %select_n3A_90 = arith.select %or3A, %broadcast_in_dim3A_48, %broadcast_in_dim3A_75 : vector<1x1024xi1>, vector<1x1024xf32>
    %select_n3A_91 = arith.select %or3A, %broadcast_in_dim3A_59, %broadcast_in_dim3A_88 : vector<1x1024xi1>, vector<1x1024xf32>
    %get3A_92 = arith.constant 1024 : index
    %get3A_93 = arith.constant 0 : index
    %get3A_94 = vector.load %arg5[%get3A_92, %get3A_93] : memref<8192x64xf32, #tpu.memory_space<vmem>>, vector<512x64xf32>
    %mul3A_95 = arith.mulf %get3A_94, %get3A_94 : vector<512x64xf32>
    %reduce_sum3A_96 = arith.constant dense<0.000000e+00> : vector<512xf32>
    %reduce_sum3A_97 = vector.multi_reduction <add>, %mul3A_95, %reduce_sum3A_96 [1] : vector<512x64xf32> to vector<512xf32>
    %broadcast_in_dim3A_98 = vector.shape_cast %reduce_sum3A_97 : vector<512xf32> to vector<512x1xf32>
    %dot_general3A_99 = arith.constant dense<0.000000e+00> : vector<512x1024xf32>
    %dot_general3A_100 = tpu.matmul %get3A_94, %convert_element_type3A_29, %dot_general3A_99 {dimension_numbers = #tpu.dot_dimension_numbers<[1], [0], [0], [1], [0, 0, 1, 1], [], []>, transpose_lhs_hint = false} : vector<512x64xf32>, vector<64x1024xbf16>, vector<512x1024xf32> -> vector<512x1024xf32>
    %sub3A_101 = vector.broadcast %broadcast_in_dim3A_33 : vector<1x1024xf32> to vector<512x1024xf32>
    %sub3A_102 = arith.subf %sub3A_101, %dot_general3A_100 : vector<512x1024xf32>
    %add3A_103 = vector.broadcast %broadcast_in_dim3A_98 : vector<512x1xf32> to vector<512x1024xf32>
    %add3A_104 = arith.addf %sub3A_102, %add3A_103 : vector<512x1024xf32>
    %reduce_min3A_105 = arith.constant dense<0x7F800000> : vector<1024xf32>
    %reduce_min3A_106 = vector.multi_reduction <minimumf>, %add3A_104, %reduce_min3A_105 [0] : vector<512x1024xf32> to vector<1024xf32>
    %broadcast_in_dim3A_107 = vector.shape_cast %reduce_min3A_106 : vector<1024xf32> to vector<1x1024xf32>
    %add3A_108 = arith.constant 1.024000e+03 : f32
    %add3A_109 = vector.broadcast %add3A_108 : f32 to vector<512x1xf32>
    %add3A_110 = arith.addf %convert_element_type3A_34, %add3A_109 : vector<512x1xf32>
    %eq3A_111 = vector.broadcast %broadcast_in_dim3A_107 : vector<1x1024xf32> to vector<512x1024xf32>
    %eq3A_112 = arith.cmpf oeq, %add3A_104, %eq3A_111 : vector<512x1024xf32>
    %jit3A_113 = arith.constant 3.000000e+38 : f32
    %broadcast_in_dim3A_114 = vector.shape_cast %add3A_110 : vector<512x1xf32> to vector<512x1xf32>
    %broadcast_in_dim3A_115 = vector.broadcast %broadcast_in_dim3A_114 : vector<512x1xf32> to vector<512x1024xf32>
    %broadcast_in_dim3A_116 = vector.broadcast %jit3A_113 : f32 to vector<512x1024xf32>
    %select_n3A_117 = arith.select %eq3A_112, %broadcast_in_dim3A_115, %broadcast_in_dim3A_116 : vector<512x1024xi1>, vector<512x1024xf32>
    %reduce_min3A_118 = arith.constant dense<0x7F800000> : vector<1024xf32>
    %reduce_min3A_119 = vector.multi_reduction <minimumf>, %select_n3A_117, %reduce_min3A_118 [0] : vector<512x1024xf32> to vector<1024xf32>
    %broadcast_in_dim3A_120 = vector.shape_cast %reduce_min3A_119 : vector<1024xf32> to vector<1x1024xf32>
    %lt3A_121 = arith.cmpf olt, %select_n3A_90, %broadcast_in_dim3A_107 : vector<1x1024xf32>
    %eq3A_122 = arith.cmpf oeq, %select_n3A_90, %broadcast_in_dim3A_107 : vector<1x1024xf32>
    %le3A_123 = arith.cmpf ole, %select_n3A_91, %broadcast_in_dim3A_120 : vector<1x1024xf32>
    %and3A_124 = arith.andi %eq3A_122, %le3A_123 : vector<1x1024xi1>
    %or3A_125 = arith.ori %lt3A_121, %and3A_124 : vector<1x1024xi1>
    %select_n3A_126 = arith.select %or3A_125, %select_n3A_90, %broadcast_in_dim3A_107 : vector<1x1024xi1>, vector<1x1024xf32>
    %select_n3A_127 = arith.select %or3A_125, %select_n3A_91, %broadcast_in_dim3A_120 : vector<1x1024xi1>, vector<1x1024xf32>
    %get3A_128 = arith.constant 1536 : index
    %get3A_129 = arith.constant 0 : index
    %get3A_130 = vector.load %arg5[%get3A_128, %get3A_129] : memref<8192x64xf32, #tpu.memory_space<vmem>>, vector<512x64xf32>
    %mul3A_131 = arith.mulf %get3A_130, %get3A_130 : vector<512x64xf32>
    %reduce_sum3A_132 = arith.constant dense<0.000000e+00> : vector<512xf32>
    %reduce_sum3A_133 = vector.multi_reduction <add>, %mul3A_131, %reduce_sum3A_132 [1] : vector<512x64xf32> to vector<512xf32>
    %broadcast_in_dim3A_134 = vector.shape_cast %reduce_sum3A_133 : vector<512xf32> to vector<512x1xf32>
    %dot_general3A_135 = arith.constant dense<0.000000e+00> : vector<512x1024xf32>
    %dot_general3A_136 = tpu.matmul %get3A_130, %convert_element_type3A_29, %dot_general3A_135 {dimension_numbers = #tpu.dot_dimension_numbers<[1], [0], [0], [1], [0, 0, 1, 1], [], []>, transpose_lhs_hint = false} : vector<512x64xf32>, vector<64x1024xbf16>, vector<512x1024xf32> -> vector<512x1024xf32>
    %sub3A_137 = vector.broadcast %broadcast_in_dim3A_33 : vector<1x1024xf32> to vector<512x1024xf32>
    %sub3A_138 = arith.subf %sub3A_137, %dot_general3A_136 : vector<512x1024xf32>
    %add3A_139 = vector.broadcast %broadcast_in_dim3A_134 : vector<512x1xf32> to vector<512x1024xf32>
    %add3A_140 = arith.addf %sub3A_138, %add3A_139 : vector<512x1024xf32>
    %reduce_min3A_141 = arith.constant dense<0x7F800000> : vector<1024xf32>
    %reduce_min3A_142 = vector.multi_reduction <minimumf>, %add3A_140, %reduce_min3A_141 [0] : vector<512x1024xf32> to vector<1024xf32>
    %broadcast_in_dim3A_143 = vector.shape_cast %reduce_min3A_142 : vector<1024xf32> to vector<1x1024xf32>
    %add3A_144 = arith.constant 1.536000e+03 : f32
    %add3A_145 = vector.broadcast %add3A_144 : f32 to vector<512x1xf32>
    %add3A_146 = arith.addf %convert_element_type3A_34, %add3A_145 : vector<512x1xf32>
    %eq3A_147 = vector.broadcast %broadcast_in_dim3A_143 : vector<1x1024xf32> to vector<512x1024xf32>
    %eq3A_148 = arith.cmpf oeq, %add3A_140, %eq3A_147 : vector<512x1024xf32>
    %jit3A_149 = arith.constant 3.000000e+38 : f32
    %broadcast_in_dim3A_150 = vector.shape_cast %add3A_146 : vector<512x1xf32> to vector<512x1xf32>
    %broadcast_in_dim3A_151 = vector.broadcast %broadcast_in_dim3A_150 : vector<512x1xf32> to vector<512x1024xf32>
    %broadcast_in_dim3A_152 = vector.broadcast %jit3A_149 : f32 to vector<512x1024xf32>
    %select_n3A_153 = arith.select %eq3A_148, %broadcast_in_dim3A_151, %broadcast_in_dim3A_152 : vector<512x1024xi1>, vector<512x1024xf32>
    %reduce_min3A_154 = arith.constant dense<0x7F800000> : vector<1024xf32>
    %reduce_min3A_155 = vector.multi_reduction <minimumf>, %select_n3A_153, %reduce_min3A_154 [0] : vector<512x1024xf32> to vector<1024xf32>
    %broadcast_in_dim3A_156 = vector.shape_cast %reduce_min3A_155 : vector<1024xf32> to vector<1x1024xf32>
    %lt3A_157 = arith.cmpf olt, %select_n3A_126, %broadcast_in_dim3A_143 : vector<1x1024xf32>
    %eq3A_158 = arith.cmpf oeq, %select_n3A_126, %broadcast_in_dim3A_143 : vector<1x1024xf32>
    %le3A_159 = arith.cmpf ole, %select_n3A_127, %broadcast_in_dim3A_156 : vector<1x1024xf32>
    %and3A_160 = arith.andi %eq3A_158, %le3A_159 : vector<1x1024xi1>
    %or3A_161 = arith.ori %lt3A_157, %and3A_160 : vector<1x1024xi1>
    %select_n3A_162 = arith.select %or3A_161, %select_n3A_126, %broadcast_in_dim3A_143 : vector<1x1024xi1>, vector<1x1024xf32>
    %select_n3A_163 = arith.select %or3A_161, %select_n3A_127, %broadcast_in_dim3A_156 : vector<1x1024xi1>, vector<1x1024xf32>
    %convert_element_type3A_164 = arith.truncf %select_n3A_162 : vector<1x1024xf32> to vector<1x1024xbf16>
    %convert_element_type3A_165 = arith.extf %convert_element_type3A_164 : vector<1x1024xbf16> to vector<1x1024xf32>
    %get3A_166 = arith.constant 2048 : index
    %get3A_167 = arith.constant 0 : index
    %get3A_168 = vector.load %arg5[%get3A_166, %get3A_167] : memref<8192x64xf32, #tpu.memory_space<vmem>>, vector<512x64xf32>
    %mul3A_169 = arith.mulf %get3A_168, %get3A_168 : vector<512x64xf32>
    %reduce_sum3A_170 = arith.constant dense<0.000000e+00> : vector<512xf32>
    %reduce_sum3A_171 = vector.multi_reduction <add>, %mul3A_169, %reduce_sum3A_170 [1] : vector<512x64xf32> to vector<512xf32>
    %broadcast_in_dim3A_172 = vector.shape_cast %reduce_sum3A_171 : vector<512xf32> to vector<512x1xf32>
    %dot_general3A_173 = arith.constant dense<0.000000e+00> : vector<512x1024xf32>
    %dot_general3A_174 = tpu.matmul %get3A_168, %convert_element_type3A_29, %dot_general3A_173 {dimension_numbers = #tpu.dot_dimension_numbers<[1], [0], [0], [1], [0, 0, 1, 1], [], []>, transpose_lhs_hint = false} : vector<512x64xf32>, vector<64x1024xbf16>, vector<512x1024xf32> -> vector<512x1024xf32>
    %sub3A_175 = vector.broadcast %broadcast_in_dim3A_33 : vector<1x1024xf32> to vector<512x1024xf32>
    %sub3A_176 = arith.subf %sub3A_175, %dot_general3A_174 : vector<512x1024xf32>
    %add3A_177 = vector.broadcast %broadcast_in_dim3A_172 : vector<512x1xf32> to vector<512x1024xf32>
    %add3A_178 = arith.addf %sub3A_176, %add3A_177 : vector<512x1024xf32>
    %reduce_min3A_179 = arith.constant dense<0x7F800000> : vector<1024xf32>
    %reduce_min3A_180 = vector.multi_reduction <minimumf>, %add3A_178, %reduce_min3A_179 [0] : vector<512x1024xf32> to vector<1024xf32>
    %broadcast_in_dim3A_181 = vector.shape_cast %reduce_min3A_180 : vector<1024xf32> to vector<1x1024xf32>
    %add3A_182 = arith.constant 2.048000e+03 : f32
    %add3A_183 = vector.broadcast %add3A_182 : f32 to vector<512x1xf32>
    %add3A_184 = arith.addf %convert_element_type3A_34, %add3A_183 : vector<512x1xf32>
    %eq3A_185 = vector.broadcast %broadcast_in_dim3A_181 : vector<1x1024xf32> to vector<512x1024xf32>
    %eq3A_186 = arith.cmpf oeq, %add3A_178, %eq3A_185 : vector<512x1024xf32>
    %jit3A_187 = arith.constant 3.000000e+38 : f32
    %broadcast_in_dim3A_188 = vector.shape_cast %add3A_184 : vector<512x1xf32> to vector<512x1xf32>
    %broadcast_in_dim3A_189 = vector.broadcast %broadcast_in_dim3A_188 : vector<512x1xf32> to vector<512x1024xf32>
    %broadcast_in_dim3A_190 = vector.broadcast %jit3A_187 : f32 to vector<512x1024xf32>
    %select_n3A_191 = arith.select %eq3A_186, %broadcast_in_dim3A_189, %broadcast_in_dim3A_190 : vector<512x1024xi1>, vector<512x1024xf32>
    %reduce_min3A_192 = arith.constant dense<0x7F800000> : vector<1024xf32>
    %reduce_min3A_193 = vector.multi_reduction <minimumf>, %select_n3A_191, %reduce_min3A_192 [0] : vector<512x1024xf32> to vector<1024xf32>
    %broadcast_in_dim3A_194 = vector.shape_cast %reduce_min3A_193 : vector<1024xf32> to vector<1x1024xf32>
    %get3A_195 = arith.constant 2560 : index
    %get3A_196 = arith.constant 0 : index
    %get3A_197 = vector.load %arg5[%get3A_195, %get3A_196] : memref<8192x64xf32, #tpu.memory_space<vmem>>, vector<512x64xf32>
    %mul3A_198 = arith.mulf %get3A_197, %get3A_197 : vector<512x64xf32>
    %reduce_sum3A_199 = arith.constant dense<0.000000e+00> : vector<512xf32>
    %reduce_sum3A_200 = vector.multi_reduction <add>, %mul3A_198, %reduce_sum3A_199 [1] : vector<512x64xf32> to vector<512xf32>
    %broadcast_in_dim3A_201 = vector.shape_cast %reduce_sum3A_200 : vector<512xf32> to vector<512x1xf32>
    %dot_general3A_202 = arith.constant dense<0.000000e+00> : vector<512x1024xf32>
    %dot_general3A_203 = tpu.matmul %get3A_197, %convert_element_type3A_29, %dot_general3A_202 {dimension_numbers = #tpu.dot_dimension_numbers<[1], [0], [0], [1], [0, 0, 1, 1], [], []>, transpose_lhs_hint = false} : vector<512x64xf32>, vector<64x1024xbf16>, vector<512x1024xf32> -> vector<512x1024xf32>
    %sub3A_204 = vector.broadcast %broadcast_in_dim3A_33 : vector<1x1024xf32> to vector<512x1024xf32>
    %sub3A_205 = arith.subf %sub3A_204, %dot_general3A_203 : vector<512x1024xf32>
    %add3A_206 = vector.broadcast %broadcast_in_dim3A_201 : vector<512x1xf32> to vector<512x1024xf32>
    %add3A_207 = arith.addf %sub3A_205, %add3A_206 : vector<512x1024xf32>
    %reduce_min3A_208 = arith.constant dense<0x7F800000> : vector<1024xf32>
    %reduce_min3A_209 = vector.multi_reduction <minimumf>, %add3A_207, %reduce_min3A_208 [0] : vector<512x1024xf32> to vector<1024xf32>
    %broadcast_in_dim3A_210 = vector.shape_cast %reduce_min3A_209 : vector<1024xf32> to vector<1x1024xf32>
    %add3A_211 = arith.constant 2.560000e+03 : f32
    %add3A_212 = vector.broadcast %add3A_211 : f32 to vector<512x1xf32>
    %add3A_213 = arith.addf %convert_element_type3A_34, %add3A_212 : vector<512x1xf32>
    %eq3A_214 = vector.broadcast %broadcast_in_dim3A_210 : vector<1x1024xf32> to vector<512x1024xf32>
    %eq3A_215 = arith.cmpf oeq, %add3A_207, %eq3A_214 : vector<512x1024xf32>
    %jit3A_216 = arith.constant 3.000000e+38 : f32
    %broadcast_in_dim3A_217 = vector.shape_cast %add3A_213 : vector<512x1xf32> to vector<512x1xf32>
    %broadcast_in_dim3A_218 = vector.broadcast %broadcast_in_dim3A_217 : vector<512x1xf32> to vector<512x1024xf32>
    %broadcast_in_dim3A_219 = vector.broadcast %jit3A_216 : f32 to vector<512x1024xf32>
    %select_n3A_220 = arith.select %eq3A_215, %broadcast_in_dim3A_218, %broadcast_in_dim3A_219 : vector<512x1024xi1>, vector<512x1024xf32>
    %reduce_min3A_221 = arith.constant dense<0x7F800000> : vector<1024xf32>
    %reduce_min3A_222 = vector.multi_reduction <minimumf>, %select_n3A_220, %reduce_min3A_221 [0] : vector<512x1024xf32> to vector<1024xf32>
    %broadcast_in_dim3A_223 = vector.shape_cast %reduce_min3A_222 : vector<1024xf32> to vector<1x1024xf32>
    %lt3A_224 = arith.cmpf olt, %broadcast_in_dim3A_181, %broadcast_in_dim3A_210 : vector<1x1024xf32>
    %eq3A_225 = arith.cmpf oeq, %broadcast_in_dim3A_181, %broadcast_in_dim3A_210 : vector<1x1024xf32>
    %le3A_226 = arith.cmpf ole, %broadcast_in_dim3A_194, %broadcast_in_dim3A_223 : vector<1x1024xf32>
    %and3A_227 = arith.andi %eq3A_225, %le3A_226 : vector<1x1024xi1>
    %or3A_228 = arith.ori %lt3A_224, %and3A_227 : vector<1x1024xi1>
    %select_n3A_229 = arith.select %or3A_228, %broadcast_in_dim3A_181, %broadcast_in_dim3A_210 : vector<1x1024xi1>, vector<1x1024xf32>
    %select_n3A_230 = arith.select %or3A_228, %broadcast_in_dim3A_194, %broadcast_in_dim3A_223 : vector<1x1024xi1>, vector<1x1024xf32>
    %get3A_231 = arith.constant 3072 : index
    %get3A_232 = arith.constant 0 : index
    %get3A_233 = vector.load %arg5[%get3A_231, %get3A_232] : memref<8192x64xf32, #tpu.memory_space<vmem>>, vector<512x64xf32>
    %mul3A_234 = arith.mulf %get3A_233, %get3A_233 : vector<512x64xf32>
    %reduce_sum3A_235 = arith.constant dense<0.000000e+00> : vector<512xf32>
    %reduce_sum3A_236 = vector.multi_reduction <add>, %mul3A_234, %reduce_sum3A_235 [1] : vector<512x64xf32> to vector<512xf32>
    %broadcast_in_dim3A_237 = vector.shape_cast %reduce_sum3A_236 : vector<512xf32> to vector<512x1xf32>
    %dot_general3A_238 = arith.constant dense<0.000000e+00> : vector<512x1024xf32>
    %dot_general3A_239 = tpu.matmul %get3A_233, %convert_element_type3A_29, %dot_general3A_238 {dimension_numbers = #tpu.dot_dimension_numbers<[1], [0], [0], [1], [0, 0, 1, 1], [], []>, transpose_lhs_hint = false} : vector<512x64xf32>, vector<64x1024xbf16>, vector<512x1024xf32> -> vector<512x1024xf32>
    %sub3A_240 = vector.broadcast %broadcast_in_dim3A_33 : vector<1x1024xf32> to vector<512x1024xf32>
    %sub3A_241 = arith.subf %sub3A_240, %dot_general3A_239 : vector<512x1024xf32>
    %add3A_242 = vector.broadcast %broadcast_in_dim3A_237 : vector<512x1xf32> to vector<512x1024xf32>
    %add3A_243 = arith.addf %sub3A_241, %add3A_242 : vector<512x1024xf32>
    %reduce_min3A_244 = arith.constant dense<0x7F800000> : vector<1024xf32>
    %reduce_min3A_245 = vector.multi_reduction <minimumf>, %add3A_243, %reduce_min3A_244 [0] : vector<512x1024xf32> to vector<1024xf32>
    %broadcast_in_dim3A_246 = vector.shape_cast %reduce_min3A_245 : vector<1024xf32> to vector<1x1024xf32>
    %add3A_247 = arith.constant 3.072000e+03 : f32
    %add3A_248 = vector.broadcast %add3A_247 : f32 to vector<512x1xf32>
    %add3A_249 = arith.addf %convert_element_type3A_34, %add3A_248 : vector<512x1xf32>
    %eq3A_250 = vector.broadcast %broadcast_in_dim3A_246 : vector<1x1024xf32> to vector<512x1024xf32>
    %eq3A_251 = arith.cmpf oeq, %add3A_243, %eq3A_250 : vector<512x1024xf32>
    %jit3A_252 = arith.constant 3.000000e+38 : f32
    %broadcast_in_dim3A_253 = vector.shape_cast %add3A_249 : vector<512x1xf32> to vector<512x1xf32>
    %broadcast_in_dim3A_254 = vector.broadcast %broadcast_in_dim3A_253 : vector<512x1xf32> to vector<512x1024xf32>
    %broadcast_in_dim3A_255 = vector.broadcast %jit3A_252 : f32 to vector<512x1024xf32>
    %select_n3A_256 = arith.select %eq3A_251, %broadcast_in_dim3A_254, %broadcast_in_dim3A_255 : vector<512x1024xi1>, vector<512x1024xf32>
    %reduce_min3A_257 = arith.constant dense<0x7F800000> : vector<1024xf32>
    %reduce_min3A_258 = vector.multi_reduction <minimumf>, %select_n3A_256, %reduce_min3A_257 [0] : vector<512x1024xf32> to vector<1024xf32>
    %broadcast_in_dim3A_259 = vector.shape_cast %reduce_min3A_258 : vector<1024xf32> to vector<1x1024xf32>
    %lt3A_260 = arith.cmpf olt, %select_n3A_229, %broadcast_in_dim3A_246 : vector<1x1024xf32>
    %eq3A_261 = arith.cmpf oeq, %select_n3A_229, %broadcast_in_dim3A_246 : vector<1x1024xf32>
    %le3A_262 = arith.cmpf ole, %select_n3A_230, %broadcast_in_dim3A_259 : vector<1x1024xf32>
    %and3A_263 = arith.andi %eq3A_261, %le3A_262 : vector<1x1024xi1>
    %or3A_264 = arith.ori %lt3A_260, %and3A_263 : vector<1x1024xi1>
    %select_n3A_265 = arith.select %or3A_264, %select_n3A_229, %broadcast_in_dim3A_246 : vector<1x1024xi1>, vector<1x1024xf32>
    %select_n3A_266 = arith.select %or3A_264, %select_n3A_230, %broadcast_in_dim3A_259 : vector<1x1024xi1>, vector<1x1024xf32>
    %get3A_267 = arith.constant 3584 : index
    %get3A_268 = arith.constant 0 : index
    %get3A_269 = vector.load %arg5[%get3A_267, %get3A_268] : memref<8192x64xf32, #tpu.memory_space<vmem>>, vector<512x64xf32>
    %mul3A_270 = arith.mulf %get3A_269, %get3A_269 : vector<512x64xf32>
    %reduce_sum3A_271 = arith.constant dense<0.000000e+00> : vector<512xf32>
    %reduce_sum3A_272 = vector.multi_reduction <add>, %mul3A_270, %reduce_sum3A_271 [1] : vector<512x64xf32> to vector<512xf32>
    %broadcast_in_dim3A_273 = vector.shape_cast %reduce_sum3A_272 : vector<512xf32> to vector<512x1xf32>
    %dot_general3A_274 = arith.constant dense<0.000000e+00> : vector<512x1024xf32>
    %dot_general3A_275 = tpu.matmul %get3A_269, %convert_element_type3A_29, %dot_general3A_274 {dimension_numbers = #tpu.dot_dimension_numbers<[1], [0], [0], [1], [0, 0, 1, 1], [], []>, transpose_lhs_hint = false} : vector<512x64xf32>, vector<64x1024xbf16>, vector<512x1024xf32> -> vector<512x1024xf32>
    %sub3A_276 = vector.broadcast %broadcast_in_dim3A_33 : vector<1x1024xf32> to vector<512x1024xf32>
    %sub3A_277 = arith.subf %sub3A_276, %dot_general3A_275 : vector<512x1024xf32>
    %add3A_278 = vector.broadcast %broadcast_in_dim3A_273 : vector<512x1xf32> to vector<512x1024xf32>
    %add3A_279 = arith.addf %sub3A_277, %add3A_278 : vector<512x1024xf32>
    %reduce_min3A_280 = arith.constant dense<0x7F800000> : vector<1024xf32>
    %reduce_min3A_281 = vector.multi_reduction <minimumf>, %add3A_279, %reduce_min3A_280 [0] : vector<512x1024xf32> to vector<1024xf32>
    %broadcast_in_dim3A_282 = vector.shape_cast %reduce_min3A_281 : vector<1024xf32> to vector<1x1024xf32>
    %add3A_283 = arith.constant 3.584000e+03 : f32
    %add3A_284 = vector.broadcast %add3A_283 : f32 to vector<512x1xf32>
    %add3A_285 = arith.addf %convert_element_type3A_34, %add3A_284 : vector<512x1xf32>
    %eq3A_286 = vector.broadcast %broadcast_in_dim3A_282 : vector<1x1024xf32> to vector<512x1024xf32>
    %eq3A_287 = arith.cmpf oeq, %add3A_279, %eq3A_286 : vector<512x1024xf32>
    %jit3A_288 = arith.constant 3.000000e+38 : f32
    %broadcast_in_dim3A_289 = vector.shape_cast %add3A_285 : vector<512x1xf32> to vector<512x1xf32>
    %broadcast_in_dim3A_290 = vector.broadcast %broadcast_in_dim3A_289 : vector<512x1xf32> to vector<512x1024xf32>
    %broadcast_in_dim3A_291 = vector.broadcast %jit3A_288 : f32 to vector<512x1024xf32>
    %select_n3A_292 = arith.select %eq3A_287, %broadcast_in_dim3A_290, %broadcast_in_dim3A_291 : vector<512x1024xi1>, vector<512x1024xf32>
    %reduce_min3A_293 = arith.constant dense<0x7F800000> : vector<1024xf32>
    %reduce_min3A_294 = vector.multi_reduction <minimumf>, %select_n3A_292, %reduce_min3A_293 [0] : vector<512x1024xf32> to vector<1024xf32>
    %broadcast_in_dim3A_295 = vector.shape_cast %reduce_min3A_294 : vector<1024xf32> to vector<1x1024xf32>
    %lt3A_296 = arith.cmpf olt, %select_n3A_265, %broadcast_in_dim3A_282 : vector<1x1024xf32>
    %eq3A_297 = arith.cmpf oeq, %select_n3A_265, %broadcast_in_dim3A_282 : vector<1x1024xf32>
    %le3A_298 = arith.cmpf ole, %select_n3A_266, %broadcast_in_dim3A_295 : vector<1x1024xf32>
    %and3A_299 = arith.andi %eq3A_297, %le3A_298 : vector<1x1024xi1>
    %or3A_300 = arith.ori %lt3A_296, %and3A_299 : vector<1x1024xi1>
    %select_n3A_301 = arith.select %or3A_300, %select_n3A_265, %broadcast_in_dim3A_282 : vector<1x1024xi1>, vector<1x1024xf32>
    %select_n3A_302 = arith.select %or3A_300, %select_n3A_266, %broadcast_in_dim3A_295 : vector<1x1024xi1>, vector<1x1024xf32>
    %le3A_303 = arith.cmpf ole, %convert_element_type3A_165, %select_n3A_301 : vector<1x1024xf32>
    %select_n3A_304 = arith.select %le3A_303, %select_n3A_163, %select_n3A_302 : vector<1x1024xi1>, vector<1x1024xf32>
    %select_n3A_305 = arith.select %le3A_303, %convert_element_type3A_165, %select_n3A_301 : vector<1x1024xi1>, vector<1x1024xf32>
    %convert_element_type3A_306 = arith.truncf %select_n3A_305 : vector<1x1024xf32> to vector<1x1024xbf16>
    %convert_element_type3A_307 = arith.extf %convert_element_type3A_306 : vector<1x1024xbf16> to vector<1x1024xf32>
    %get3A_308 = arith.constant 4096 : index
    %get3A_309 = arith.constant 0 : index
    %get3A_310 = vector.load %arg5[%get3A_308, %get3A_309] : memref<8192x64xf32, #tpu.memory_space<vmem>>, vector<512x64xf32>
    %mul3A_311 = arith.mulf %get3A_310, %get3A_310 : vector<512x64xf32>
    %reduce_sum3A_312 = arith.constant dense<0.000000e+00> : vector<512xf32>
    %reduce_sum3A_313 = vector.multi_reduction <add>, %mul3A_311, %reduce_sum3A_312 [1] : vector<512x64xf32> to vector<512xf32>
    %broadcast_in_dim3A_314 = vector.shape_cast %reduce_sum3A_313 : vector<512xf32> to vector<512x1xf32>
    %dot_general3A_315 = arith.constant dense<0.000000e+00> : vector<512x1024xf32>
    %dot_general3A_316 = tpu.matmul %get3A_310, %convert_element_type3A_29, %dot_general3A_315 {dimension_numbers = #tpu.dot_dimension_numbers<[1], [0], [0], [1], [0, 0, 1, 1], [], []>, transpose_lhs_hint = false} : vector<512x64xf32>, vector<64x1024xbf16>, vector<512x1024xf32> -> vector<512x1024xf32>
    %sub3A_317 = vector.broadcast %broadcast_in_dim3A_33 : vector<1x1024xf32> to vector<512x1024xf32>
    %sub3A_318 = arith.subf %sub3A_317, %dot_general3A_316 : vector<512x1024xf32>
    %add3A_319 = vector.broadcast %broadcast_in_dim3A_314 : vector<512x1xf32> to vector<512x1024xf32>
    %add3A_320 = arith.addf %sub3A_318, %add3A_319 : vector<512x1024xf32>
    %reduce_min3A_321 = arith.constant dense<0x7F800000> : vector<1024xf32>
    %reduce_min3A_322 = vector.multi_reduction <minimumf>, %add3A_320, %reduce_min3A_321 [0] : vector<512x1024xf32> to vector<1024xf32>
    %broadcast_in_dim3A_323 = vector.shape_cast %reduce_min3A_322 : vector<1024xf32> to vector<1x1024xf32>
    %add3A_324 = arith.constant 4.096000e+03 : f32
    %add3A_325 = vector.broadcast %add3A_324 : f32 to vector<512x1xf32>
    %add3A_326 = arith.addf %convert_element_type3A_34, %add3A_325 : vector<512x1xf32>
    %eq3A_327 = vector.broadcast %broadcast_in_dim3A_323 : vector<1x1024xf32> to vector<512x1024xf32>
    %eq3A_328 = arith.cmpf oeq, %add3A_320, %eq3A_327 : vector<512x1024xf32>
    %jit3A_329 = arith.constant 3.000000e+38 : f32
    %broadcast_in_dim3A_330 = vector.shape_cast %add3A_326 : vector<512x1xf32> to vector<512x1xf32>
    %broadcast_in_dim3A_331 = vector.broadcast %broadcast_in_dim3A_330 : vector<512x1xf32> to vector<512x1024xf32>
    %broadcast_in_dim3A_332 = vector.broadcast %jit3A_329 : f32 to vector<512x1024xf32>
    %select_n3A_333 = arith.select %eq3A_328, %broadcast_in_dim3A_331, %broadcast_in_dim3A_332 : vector<512x1024xi1>, vector<512x1024xf32>
    %reduce_min3A_334 = arith.constant dense<0x7F800000> : vector<1024xf32>
    %reduce_min3A_335 = vector.multi_reduction <minimumf>, %select_n3A_333, %reduce_min3A_334 [0] : vector<512x1024xf32> to vector<1024xf32>
    %broadcast_in_dim3A_336 = vector.shape_cast %reduce_min3A_335 : vector<1024xf32> to vector<1x1024xf32>
    %get3A_337 = arith.constant 4608 : index
    %get3A_338 = arith.constant 0 : index
    %get3A_339 = vector.load %arg5[%get3A_337, %get3A_338] : memref<8192x64xf32, #tpu.memory_space<vmem>>, vector<512x64xf32>
    %mul3A_340 = arith.mulf %get3A_339, %get3A_339 : vector<512x64xf32>
    %reduce_sum3A_341 = arith.constant dense<0.000000e+00> : vector<512xf32>
    %reduce_sum3A_342 = vector.multi_reduction <add>, %mul3A_340, %reduce_sum3A_341 [1] : vector<512x64xf32> to vector<512xf32>
    %broadcast_in_dim3A_343 = vector.shape_cast %reduce_sum3A_342 : vector<512xf32> to vector<512x1xf32>
    %dot_general3A_344 = arith.constant dense<0.000000e+00> : vector<512x1024xf32>
    %dot_general3A_345 = tpu.matmul %get3A_339, %convert_element_type3A_29, %dot_general3A_344 {dimension_numbers = #tpu.dot_dimension_numbers<[1], [0], [0], [1], [0, 0, 1, 1], [], []>, transpose_lhs_hint = false} : vector<512x64xf32>, vector<64x1024xbf16>, vector<512x1024xf32> -> vector<512x1024xf32>
    %sub3A_346 = vector.broadcast %broadcast_in_dim3A_33 : vector<1x1024xf32> to vector<512x1024xf32>
    %sub3A_347 = arith.subf %sub3A_346, %dot_general3A_345 : vector<512x1024xf32>
    %add3A_348 = vector.broadcast %broadcast_in_dim3A_343 : vector<512x1xf32> to vector<512x1024xf32>
    %add3A_349 = arith.addf %sub3A_347, %add3A_348 : vector<512x1024xf32>
    %reduce_min3A_350 = arith.constant dense<0x7F800000> : vector<1024xf32>
    %reduce_min3A_351 = vector.multi_reduction <minimumf>, %add3A_349, %reduce_min3A_350 [0] : vector<512x1024xf32> to vector<1024xf32>
    %broadcast_in_dim3A_352 = vector.shape_cast %reduce_min3A_351 : vector<1024xf32> to vector<1x1024xf32>
    %add3A_353 = arith.constant 4.608000e+03 : f32
    %add3A_354 = vector.broadcast %add3A_353 : f32 to vector<512x1xf32>
    %add3A_355 = arith.addf %convert_element_type3A_34, %add3A_354 : vector<512x1xf32>
    %eq3A_356 = vector.broadcast %broadcast_in_dim3A_352 : vector<1x1024xf32> to vector<512x1024xf32>
    %eq3A_357 = arith.cmpf oeq, %add3A_349, %eq3A_356 : vector<512x1024xf32>
    %jit3A_358 = arith.constant 3.000000e+38 : f32
    %broadcast_in_dim3A_359 = vector.shape_cast %add3A_355 : vector<512x1xf32> to vector<512x1xf32>
    %broadcast_in_dim3A_360 = vector.broadcast %broadcast_in_dim3A_359 : vector<512x1xf32> to vector<512x1024xf32>
    %broadcast_in_dim3A_361 = vector.broadcast %jit3A_358 : f32 to vector<512x1024xf32>
    %select_n3A_362 = arith.select %eq3A_357, %broadcast_in_dim3A_360, %broadcast_in_dim3A_361 : vector<512x1024xi1>, vector<512x1024xf32>
    %reduce_min3A_363 = arith.constant dense<0x7F800000> : vector<1024xf32>
    %reduce_min3A_364 = vector.multi_reduction <minimumf>, %select_n3A_362, %reduce_min3A_363 [0] : vector<512x1024xf32> to vector<1024xf32>
    %broadcast_in_dim3A_365 = vector.shape_cast %reduce_min3A_364 : vector<1024xf32> to vector<1x1024xf32>
    %lt3A_366 = arith.cmpf olt, %broadcast_in_dim3A_323, %broadcast_in_dim3A_352 : vector<1x1024xf32>
    %eq3A_367 = arith.cmpf oeq, %broadcast_in_dim3A_323, %broadcast_in_dim3A_352 : vector<1x1024xf32>
    %le3A_368 = arith.cmpf ole, %broadcast_in_dim3A_336, %broadcast_in_dim3A_365 : vector<1x1024xf32>
    %and3A_369 = arith.andi %eq3A_367, %le3A_368 : vector<1x1024xi1>
    %or3A_370 = arith.ori %lt3A_366, %and3A_369 : vector<1x1024xi1>
    %select_n3A_371 = arith.select %or3A_370, %broadcast_in_dim3A_323, %broadcast_in_dim3A_352 : vector<1x1024xi1>, vector<1x1024xf32>
    %select_n3A_372 = arith.select %or3A_370, %broadcast_in_dim3A_336, %broadcast_in_dim3A_365 : vector<1x1024xi1>, vector<1x1024xf32>
    %get3A_373 = arith.constant 5120 : index
    %get3A_374 = arith.constant 0 : index
    %get3A_375 = vector.load %arg5[%get3A_373, %get3A_374] : memref<8192x64xf32, #tpu.memory_space<vmem>>, vector<512x64xf32>
    %mul3A_376 = arith.mulf %get3A_375, %get3A_375 : vector<512x64xf32>
    %reduce_sum3A_377 = arith.constant dense<0.000000e+00> : vector<512xf32>
    %reduce_sum3A_378 = vector.multi_reduction <add>, %mul3A_376, %reduce_sum3A_377 [1] : vector<512x64xf32> to vector<512xf32>
    %broadcast_in_dim3A_379 = vector.shape_cast %reduce_sum3A_378 : vector<512xf32> to vector<512x1xf32>
    %dot_general3A_380 = arith.constant dense<0.000000e+00> : vector<512x1024xf32>
    %dot_general3A_381 = tpu.matmul %get3A_375, %convert_element_type3A_29, %dot_general3A_380 {dimension_numbers = #tpu.dot_dimension_numbers<[1], [0], [0], [1], [0, 0, 1, 1], [], []>, transpose_lhs_hint = false} : vector<512x64xf32>, vector<64x1024xbf16>, vector<512x1024xf32> -> vector<512x1024xf32>
    %sub3A_382 = vector.broadcast %broadcast_in_dim3A_33 : vector<1x1024xf32> to vector<512x1024xf32>
    %sub3A_383 = arith.subf %sub3A_382, %dot_general3A_381 : vector<512x1024xf32>
    %add3A_384 = vector.broadcast %broadcast_in_dim3A_379 : vector<512x1xf32> to vector<512x1024xf32>
    %add3A_385 = arith.addf %sub3A_383, %add3A_384 : vector<512x1024xf32>
    %reduce_min3A_386 = arith.constant dense<0x7F800000> : vector<1024xf32>
    %reduce_min3A_387 = vector.multi_reduction <minimumf>, %add3A_385, %reduce_min3A_386 [0] : vector<512x1024xf32> to vector<1024xf32>
    %broadcast_in_dim3A_388 = vector.shape_cast %reduce_min3A_387 : vector<1024xf32> to vector<1x1024xf32>
    %add3A_389 = arith.constant 5.120000e+03 : f32
    %add3A_390 = vector.broadcast %add3A_389 : f32 to vector<512x1xf32>
    %add3A_391 = arith.addf %convert_element_type3A_34, %add3A_390 : vector<512x1xf32>
    %eq3A_392 = vector.broadcast %broadcast_in_dim3A_388 : vector<1x1024xf32> to vector<512x1024xf32>
    %eq3A_393 = arith.cmpf oeq, %add3A_385, %eq3A_392 : vector<512x1024xf32>
    %jit3A_394 = arith.constant 3.000000e+38 : f32
    %broadcast_in_dim3A_395 = vector.shape_cast %add3A_391 : vector<512x1xf32> to vector<512x1xf32>
    %broadcast_in_dim3A_396 = vector.broadcast %broadcast_in_dim3A_395 : vector<512x1xf32> to vector<512x1024xf32>
    %broadcast_in_dim3A_397 = vector.broadcast %jit3A_394 : f32 to vector<512x1024xf32>
    %select_n3A_398 = arith.select %eq3A_393, %broadcast_in_dim3A_396, %broadcast_in_dim3A_397 : vector<512x1024xi1>, vector<512x1024xf32>
    %reduce_min3A_399 = arith.constant dense<0x7F800000> : vector<1024xf32>
    %reduce_min3A_400 = vector.multi_reduction <minimumf>, %select_n3A_398, %reduce_min3A_399 [0] : vector<512x1024xf32> to vector<1024xf32>
    %broadcast_in_dim3A_401 = vector.shape_cast %reduce_min3A_400 : vector<1024xf32> to vector<1x1024xf32>
    %lt3A_402 = arith.cmpf olt, %select_n3A_371, %broadcast_in_dim3A_388 : vector<1x1024xf32>
    %eq3A_403 = arith.cmpf oeq, %select_n3A_371, %broadcast_in_dim3A_388 : vector<1x1024xf32>
    %le3A_404 = arith.cmpf ole, %select_n3A_372, %broadcast_in_dim3A_401 : vector<1x1024xf32>
    %and3A_405 = arith.andi %eq3A_403, %le3A_404 : vector<1x1024xi1>
    %or3A_406 = arith.ori %lt3A_402, %and3A_405 : vector<1x1024xi1>
    %select_n3A_407 = arith.select %or3A_406, %select_n3A_371, %broadcast_in_dim3A_388 : vector<1x1024xi1>, vector<1x1024xf32>
    %select_n3A_408 = arith.select %or3A_406, %select_n3A_372, %broadcast_in_dim3A_401 : vector<1x1024xi1>, vector<1x1024xf32>
    %get3A_409 = arith.constant 5632 : index
    %get3A_410 = arith.constant 0 : index
    %get3A_411 = vector.load %arg5[%get3A_409, %get3A_410] : memref<8192x64xf32, #tpu.memory_space<vmem>>, vector<512x64xf32>
    %mul3A_412 = arith.mulf %get3A_411, %get3A_411 : vector<512x64xf32>
    %reduce_sum3A_413 = arith.constant dense<0.000000e+00> : vector<512xf32>
    %reduce_sum3A_414 = vector.multi_reduction <add>, %mul3A_412, %reduce_sum3A_413 [1] : vector<512x64xf32> to vector<512xf32>
    %broadcast_in_dim3A_415 = vector.shape_cast %reduce_sum3A_414 : vector<512xf32> to vector<512x1xf32>
    %dot_general3A_416 = arith.constant dense<0.000000e+00> : vector<512x1024xf32>
    %dot_general3A_417 = tpu.matmul %get3A_411, %convert_element_type3A_29, %dot_general3A_416 {dimension_numbers = #tpu.dot_dimension_numbers<[1], [0], [0], [1], [0, 0, 1, 1], [], []>, transpose_lhs_hint = false} : vector<512x64xf32>, vector<64x1024xbf16>, vector<512x1024xf32> -> vector<512x1024xf32>
    %sub3A_418 = vector.broadcast %broadcast_in_dim3A_33 : vector<1x1024xf32> to vector<512x1024xf32>
    %sub3A_419 = arith.subf %sub3A_418, %dot_general3A_417 : vector<512x1024xf32>
    %add3A_420 = vector.broadcast %broadcast_in_dim3A_415 : vector<512x1xf32> to vector<512x1024xf32>
    %add3A_421 = arith.addf %sub3A_419, %add3A_420 : vector<512x1024xf32>
    %reduce_min3A_422 = arith.constant dense<0x7F800000> : vector<1024xf32>
    %reduce_min3A_423 = vector.multi_reduction <minimumf>, %add3A_421, %reduce_min3A_422 [0] : vector<512x1024xf32> to vector<1024xf32>
    %broadcast_in_dim3A_424 = vector.shape_cast %reduce_min3A_423 : vector<1024xf32> to vector<1x1024xf32>
    %add3A_425 = arith.constant 5.632000e+03 : f32
    %add3A_426 = vector.broadcast %add3A_425 : f32 to vector<512x1xf32>
    %add3A_427 = arith.addf %convert_element_type3A_34, %add3A_426 : vector<512x1xf32>
    %eq3A_428 = vector.broadcast %broadcast_in_dim3A_424 : vector<1x1024xf32> to vector<512x1024xf32>
    %eq3A_429 = arith.cmpf oeq, %add3A_421, %eq3A_428 : vector<512x1024xf32>
    %jit3A_430 = arith.constant 3.000000e+38 : f32
    %broadcast_in_dim3A_431 = vector.shape_cast %add3A_427 : vector<512x1xf32> to vector<512x1xf32>
    %broadcast_in_dim3A_432 = vector.broadcast %broadcast_in_dim3A_431 : vector<512x1xf32> to vector<512x1024xf32>
    %broadcast_in_dim3A_433 = vector.broadcast %jit3A_430 : f32 to vector<512x1024xf32>
    %select_n3A_434 = arith.select %eq3A_429, %broadcast_in_dim3A_432, %broadcast_in_dim3A_433 : vector<512x1024xi1>, vector<512x1024xf32>
    %reduce_min3A_435 = arith.constant dense<0x7F800000> : vector<1024xf32>
    %reduce_min3A_436 = vector.multi_reduction <minimumf>, %select_n3A_434, %reduce_min3A_435 [0] : vector<512x1024xf32> to vector<1024xf32>
    %broadcast_in_dim3A_437 = vector.shape_cast %reduce_min3A_436 : vector<1024xf32> to vector<1x1024xf32>
    %lt3A_438 = arith.cmpf olt, %select_n3A_407, %broadcast_in_dim3A_424 : vector<1x1024xf32>
    %eq3A_439 = arith.cmpf oeq, %select_n3A_407, %broadcast_in_dim3A_424 : vector<1x1024xf32>
    %le3A_440 = arith.cmpf ole, %select_n3A_408, %broadcast_in_dim3A_437 : vector<1x1024xf32>
    %and3A_441 = arith.andi %eq3A_439, %le3A_440 : vector<1x1024xi1>
    %or3A_442 = arith.ori %lt3A_438, %and3A_441 : vector<1x1024xi1>
    %select_n3A_443 = arith.select %or3A_442, %select_n3A_407, %broadcast_in_dim3A_424 : vector<1x1024xi1>, vector<1x1024xf32>
    %select_n3A_444 = arith.select %or3A_442, %select_n3A_408, %broadcast_in_dim3A_437 : vector<1x1024xi1>, vector<1x1024xf32>
    %le3A_445 = arith.cmpf ole, %convert_element_type3A_307, %select_n3A_443 : vector<1x1024xf32>
    %select_n3A_446 = arith.select %le3A_445, %select_n3A_304, %select_n3A_444 : vector<1x1024xi1>, vector<1x1024xf32>
    %select_n3A_447 = arith.select %le3A_445, %convert_element_type3A_307, %select_n3A_443 : vector<1x1024xi1>, vector<1x1024xf32>
    %convert_element_type3A_448 = arith.truncf %select_n3A_447 : vector<1x1024xf32> to vector<1x1024xbf16>
    %convert_element_type3A_449 = arith.extf %convert_element_type3A_448 : vector<1x1024xbf16> to vector<1x1024xf32>
    %get3A_450 = arith.constant 6144 : index
    %get3A_451 = arith.constant 0 : index
    %get3A_452 = vector.load %arg5[%get3A_450, %get3A_451] : memref<8192x64xf32, #tpu.memory_space<vmem>>, vector<512x64xf32>
    %mul3A_453 = arith.mulf %get3A_452, %get3A_452 : vector<512x64xf32>
    %reduce_sum3A_454 = arith.constant dense<0.000000e+00> : vector<512xf32>
    %reduce_sum3A_455 = vector.multi_reduction <add>, %mul3A_453, %reduce_sum3A_454 [1] : vector<512x64xf32> to vector<512xf32>
    %broadcast_in_dim3A_456 = vector.shape_cast %reduce_sum3A_455 : vector<512xf32> to vector<512x1xf32>
    %dot_general3A_457 = arith.constant dense<0.000000e+00> : vector<512x1024xf32>
    %dot_general3A_458 = tpu.matmul %get3A_452, %convert_element_type3A_29, %dot_general3A_457 {dimension_numbers = #tpu.dot_dimension_numbers<[1], [0], [0], [1], [0, 0, 1, 1], [], []>, transpose_lhs_hint = false} : vector<512x64xf32>, vector<64x1024xbf16>, vector<512x1024xf32> -> vector<512x1024xf32>
    %sub3A_459 = vector.broadcast %broadcast_in_dim3A_33 : vector<1x1024xf32> to vector<512x1024xf32>
    %sub3A_460 = arith.subf %sub3A_459, %dot_general3A_458 : vector<512x1024xf32>
    %add3A_461 = vector.broadcast %broadcast_in_dim3A_456 : vector<512x1xf32> to vector<512x1024xf32>
    %add3A_462 = arith.addf %sub3A_460, %add3A_461 : vector<512x1024xf32>
    %reduce_min3A_463 = arith.constant dense<0x7F800000> : vector<1024xf32>
    %reduce_min3A_464 = vector.multi_reduction <minimumf>, %add3A_462, %reduce_min3A_463 [0] : vector<512x1024xf32> to vector<1024xf32>
    %broadcast_in_dim3A_465 = vector.shape_cast %reduce_min3A_464 : vector<1024xf32> to vector<1x1024xf32>
    %add3A_466 = arith.constant 6.144000e+03 : f32
    %add3A_467 = vector.broadcast %add3A_466 : f32 to vector<512x1xf32>
    %add3A_468 = arith.addf %convert_element_type3A_34, %add3A_467 : vector<512x1xf32>
    %eq3A_469 = vector.broadcast %broadcast_in_dim3A_465 : vector<1x1024xf32> to vector<512x1024xf32>
    %eq3A_470 = arith.cmpf oeq, %add3A_462, %eq3A_469 : vector<512x1024xf32>
    %jit3A_471 = arith.constant 3.000000e+38 : f32
    %broadcast_in_dim3A_472 = vector.shape_cast %add3A_468 : vector<512x1xf32> to vector<512x1xf32>
    %broadcast_in_dim3A_473 = vector.broadcast %broadcast_in_dim3A_472 : vector<512x1xf32> to vector<512x1024xf32>
    %broadcast_in_dim3A_474 = vector.broadcast %jit3A_471 : f32 to vector<512x1024xf32>
    %select_n3A_475 = arith.select %eq3A_470, %broadcast_in_dim3A_473, %broadcast_in_dim3A_474 : vector<512x1024xi1>, vector<512x1024xf32>
    %reduce_min3A_476 = arith.constant dense<0x7F800000> : vector<1024xf32>
    %reduce_min3A_477 = vector.multi_reduction <minimumf>, %select_n3A_475, %reduce_min3A_476 [0] : vector<512x1024xf32> to vector<1024xf32>
    %broadcast_in_dim3A_478 = vector.shape_cast %reduce_min3A_477 : vector<1024xf32> to vector<1x1024xf32>
    %get3A_479 = arith.constant 6656 : index
    %get3A_480 = arith.constant 0 : index
    %get3A_481 = vector.load %arg5[%get3A_479, %get3A_480] : memref<8192x64xf32, #tpu.memory_space<vmem>>, vector<512x64xf32>
    %mul3A_482 = arith.mulf %get3A_481, %get3A_481 : vector<512x64xf32>
    %reduce_sum3A_483 = arith.constant dense<0.000000e+00> : vector<512xf32>
    %reduce_sum3A_484 = vector.multi_reduction <add>, %mul3A_482, %reduce_sum3A_483 [1] : vector<512x64xf32> to vector<512xf32>
    %broadcast_in_dim3A_485 = vector.shape_cast %reduce_sum3A_484 : vector<512xf32> to vector<512x1xf32>
    %dot_general3A_486 = arith.constant dense<0.000000e+00> : vector<512x1024xf32>
    %dot_general3A_487 = tpu.matmul %get3A_481, %convert_element_type3A_29, %dot_general3A_486 {dimension_numbers = #tpu.dot_dimension_numbers<[1], [0], [0], [1], [0, 0, 1, 1], [], []>, transpose_lhs_hint = false} : vector<512x64xf32>, vector<64x1024xbf16>, vector<512x1024xf32> -> vector<512x1024xf32>
    %sub3A_488 = vector.broadcast %broadcast_in_dim3A_33 : vector<1x1024xf32> to vector<512x1024xf32>
    %sub3A_489 = arith.subf %sub3A_488, %dot_general3A_487 : vector<512x1024xf32>
    %add3A_490 = vector.broadcast %broadcast_in_dim3A_485 : vector<512x1xf32> to vector<512x1024xf32>
    %add3A_491 = arith.addf %sub3A_489, %add3A_490 : vector<512x1024xf32>
    %reduce_min3A_492 = arith.constant dense<0x7F800000> : vector<1024xf32>
    %reduce_min3A_493 = vector.multi_reduction <minimumf>, %add3A_491, %reduce_min3A_492 [0] : vector<512x1024xf32> to vector<1024xf32>
    %broadcast_in_dim3A_494 = vector.shape_cast %reduce_min3A_493 : vector<1024xf32> to vector<1x1024xf32>
    %add3A_495 = arith.constant 6.656000e+03 : f32
    %add3A_496 = vector.broadcast %add3A_495 : f32 to vector<512x1xf32>
    %add3A_497 = arith.addf %convert_element_type3A_34, %add3A_496 : vector<512x1xf32>
    %eq3A_498 = vector.broadcast %broadcast_in_dim3A_494 : vector<1x1024xf32> to vector<512x1024xf32>
    %eq3A_499 = arith.cmpf oeq, %add3A_491, %eq3A_498 : vector<512x1024xf32>
    %jit3A_500 = arith.constant 3.000000e+38 : f32
    %broadcast_in_dim3A_501 = vector.shape_cast %add3A_497 : vector<512x1xf32> to vector<512x1xf32>
    %broadcast_in_dim3A_502 = vector.broadcast %broadcast_in_dim3A_501 : vector<512x1xf32> to vector<512x1024xf32>
    %broadcast_in_dim3A_503 = vector.broadcast %jit3A_500 : f32 to vector<512x1024xf32>
    %select_n3A_504 = arith.select %eq3A_499, %broadcast_in_dim3A_502, %broadcast_in_dim3A_503 : vector<512x1024xi1>, vector<512x1024xf32>
    %reduce_min3A_505 = arith.constant dense<0x7F800000> : vector<1024xf32>
    %reduce_min3A_506 = vector.multi_reduction <minimumf>, %select_n3A_504, %reduce_min3A_505 [0] : vector<512x1024xf32> to vector<1024xf32>
    %broadcast_in_dim3A_507 = vector.shape_cast %reduce_min3A_506 : vector<1024xf32> to vector<1x1024xf32>
    %lt3A_508 = arith.cmpf olt, %broadcast_in_dim3A_465, %broadcast_in_dim3A_494 : vector<1x1024xf32>
    %eq3A_509 = arith.cmpf oeq, %broadcast_in_dim3A_465, %broadcast_in_dim3A_494 : vector<1x1024xf32>
    %le3A_510 = arith.cmpf ole, %broadcast_in_dim3A_478, %broadcast_in_dim3A_507 : vector<1x1024xf32>
    %and3A_511 = arith.andi %eq3A_509, %le3A_510 : vector<1x1024xi1>
    %or3A_512 = arith.ori %lt3A_508, %and3A_511 : vector<1x1024xi1>
    %select_n3A_513 = arith.select %or3A_512, %broadcast_in_dim3A_465, %broadcast_in_dim3A_494 : vector<1x1024xi1>, vector<1x1024xf32>
    %select_n3A_514 = arith.select %or3A_512, %broadcast_in_dim3A_478, %broadcast_in_dim3A_507 : vector<1x1024xi1>, vector<1x1024xf32>
    %get3A_515 = arith.constant 7168 : index
    %get3A_516 = arith.constant 0 : index
    %get3A_517 = vector.load %arg5[%get3A_515, %get3A_516] : memref<8192x64xf32, #tpu.memory_space<vmem>>, vector<512x64xf32>
    %mul3A_518 = arith.mulf %get3A_517, %get3A_517 : vector<512x64xf32>
    %reduce_sum3A_519 = arith.constant dense<0.000000e+00> : vector<512xf32>
    %reduce_sum3A_520 = vector.multi_reduction <add>, %mul3A_518, %reduce_sum3A_519 [1] : vector<512x64xf32> to vector<512xf32>
    %broadcast_in_dim3A_521 = vector.shape_cast %reduce_sum3A_520 : vector<512xf32> to vector<512x1xf32>
    %dot_general3A_522 = arith.constant dense<0.000000e+00> : vector<512x1024xf32>
    %dot_general3A_523 = tpu.matmul %get3A_517, %convert_element_type3A_29, %dot_general3A_522 {dimension_numbers = #tpu.dot_dimension_numbers<[1], [0], [0], [1], [0, 0, 1, 1], [], []>, transpose_lhs_hint = false} : vector<512x64xf32>, vector<64x1024xbf16>, vector<512x1024xf32> -> vector<512x1024xf32>
    %sub3A_524 = vector.broadcast %broadcast_in_dim3A_33 : vector<1x1024xf32> to vector<512x1024xf32>
    %sub3A_525 = arith.subf %sub3A_524, %dot_general3A_523 : vector<512x1024xf32>
    %add3A_526 = vector.broadcast %broadcast_in_dim3A_521 : vector<512x1xf32> to vector<512x1024xf32>
    %add3A_527 = arith.addf %sub3A_525, %add3A_526 : vector<512x1024xf32>
    %reduce_min3A_528 = arith.constant dense<0x7F800000> : vector<1024xf32>
    %reduce_min3A_529 = vector.multi_reduction <minimumf>, %add3A_527, %reduce_min3A_528 [0] : vector<512x1024xf32> to vector<1024xf32>
    %broadcast_in_dim3A_530 = vector.shape_cast %reduce_min3A_529 : vector<1024xf32> to vector<1x1024xf32>
    %add3A_531 = arith.constant 7.168000e+03 : f32
    %add3A_532 = vector.broadcast %add3A_531 : f32 to vector<512x1xf32>
    %add3A_533 = arith.addf %convert_element_type3A_34, %add3A_532 : vector<512x1xf32>
    %eq3A_534 = vector.broadcast %broadcast_in_dim3A_530 : vector<1x1024xf32> to vector<512x1024xf32>
    %eq3A_535 = arith.cmpf oeq, %add3A_527, %eq3A_534 : vector<512x1024xf32>
    %jit3A_536 = arith.constant 3.000000e+38 : f32
    %broadcast_in_dim3A_537 = vector.shape_cast %add3A_533 : vector<512x1xf32> to vector<512x1xf32>
    %broadcast_in_dim3A_538 = vector.broadcast %broadcast_in_dim3A_537 : vector<512x1xf32> to vector<512x1024xf32>
    %broadcast_in_dim3A_539 = vector.broadcast %jit3A_536 : f32 to vector<512x1024xf32>
    %select_n3A_540 = arith.select %eq3A_535, %broadcast_in_dim3A_538, %broadcast_in_dim3A_539 : vector<512x1024xi1>, vector<512x1024xf32>
    %reduce_min3A_541 = arith.constant dense<0x7F800000> : vector<1024xf32>
    %reduce_min3A_542 = vector.multi_reduction <minimumf>, %select_n3A_540, %reduce_min3A_541 [0] : vector<512x1024xf32> to vector<1024xf32>
    %broadcast_in_dim3A_543 = vector.shape_cast %reduce_min3A_542 : vector<1024xf32> to vector<1x1024xf32>
    %lt3A_544 = arith.cmpf olt, %select_n3A_513, %broadcast_in_dim3A_530 : vector<1x1024xf32>
    %eq3A_545 = arith.cmpf oeq, %select_n3A_513, %broadcast_in_dim3A_530 : vector<1x1024xf32>
    %le3A_546 = arith.cmpf ole, %select_n3A_514, %broadcast_in_dim3A_543 : vector<1x1024xf32>
    %and3A_547 = arith.andi %eq3A_545, %le3A_546 : vector<1x1024xi1>
    %or3A_548 = arith.ori %lt3A_544, %and3A_547 : vector<1x1024xi1>
    %select_n3A_549 = arith.select %or3A_548, %select_n3A_513, %broadcast_in_dim3A_530 : vector<1x1024xi1>, vector<1x1024xf32>
    %select_n3A_550 = arith.select %or3A_548, %select_n3A_514, %broadcast_in_dim3A_543 : vector<1x1024xi1>, vector<1x1024xf32>
    %get3A_551 = arith.constant 7680 : index
    %get3A_552 = arith.constant 0 : index
    %get3A_553 = vector.load %arg5[%get3A_551, %get3A_552] : memref<8192x64xf32, #tpu.memory_space<vmem>>, vector<512x64xf32>
    %mul3A_554 = arith.mulf %get3A_553, %get3A_553 : vector<512x64xf32>
    %reduce_sum3A_555 = arith.constant dense<0.000000e+00> : vector<512xf32>
    %reduce_sum3A_556 = vector.multi_reduction <add>, %mul3A_554, %reduce_sum3A_555 [1] : vector<512x64xf32> to vector<512xf32>
    %broadcast_in_dim3A_557 = vector.shape_cast %reduce_sum3A_556 : vector<512xf32> to vector<512x1xf32>
    %dot_general3A_558 = arith.constant dense<0.000000e+00> : vector<512x1024xf32>
    %dot_general3A_559 = tpu.matmul %get3A_553, %convert_element_type3A_29, %dot_general3A_558 {dimension_numbers = #tpu.dot_dimension_numbers<[1], [0], [0], [1], [0, 0, 1, 1], [], []>, transpose_lhs_hint = false} : vector<512x64xf32>, vector<64x1024xbf16>, vector<512x1024xf32> -> vector<512x1024xf32>
    %sub3A_560 = vector.broadcast %broadcast_in_dim3A_33 : vector<1x1024xf32> to vector<512x1024xf32>
    %sub3A_561 = arith.subf %sub3A_560, %dot_general3A_559 : vector<512x1024xf32>
    %add3A_562 = vector.broadcast %broadcast_in_dim3A_557 : vector<512x1xf32> to vector<512x1024xf32>
    %add3A_563 = arith.addf %sub3A_561, %add3A_562 : vector<512x1024xf32>
    %reduce_min3A_564 = arith.constant dense<0x7F800000> : vector<1024xf32>
    %reduce_min3A_565 = vector.multi_reduction <minimumf>, %add3A_563, %reduce_min3A_564 [0] : vector<512x1024xf32> to vector<1024xf32>
    %broadcast_in_dim3A_566 = vector.shape_cast %reduce_min3A_565 : vector<1024xf32> to vector<1x1024xf32>
    %add3A_567 = arith.constant 7.680000e+03 : f32
    %add3A_568 = vector.broadcast %add3A_567 : f32 to vector<512x1xf32>
    %add3A_569 = arith.addf %convert_element_type3A_34, %add3A_568 : vector<512x1xf32>
    %eq3A_570 = vector.broadcast %broadcast_in_dim3A_566 : vector<1x1024xf32> to vector<512x1024xf32>
    %eq3A_571 = arith.cmpf oeq, %add3A_563, %eq3A_570 : vector<512x1024xf32>
    %jit3A_572 = arith.constant 3.000000e+38 : f32
    %broadcast_in_dim3A_573 = vector.shape_cast %add3A_569 : vector<512x1xf32> to vector<512x1xf32>
    %broadcast_in_dim3A_574 = vector.broadcast %broadcast_in_dim3A_573 : vector<512x1xf32> to vector<512x1024xf32>
    %broadcast_in_dim3A_575 = vector.broadcast %jit3A_572 : f32 to vector<512x1024xf32>
    %select_n3A_576 = arith.select %eq3A_571, %broadcast_in_dim3A_574, %broadcast_in_dim3A_575 : vector<512x1024xi1>, vector<512x1024xf32>
    %reduce_min3A_577 = arith.constant dense<0x7F800000> : vector<1024xf32>
    %reduce_min3A_578 = vector.multi_reduction <minimumf>, %select_n3A_576, %reduce_min3A_577 [0] : vector<512x1024xf32> to vector<1024xf32>
    %broadcast_in_dim3A_579 = vector.shape_cast %reduce_min3A_578 : vector<1024xf32> to vector<1x1024xf32>
    %lt3A_580 = arith.cmpf olt, %select_n3A_549, %broadcast_in_dim3A_566 : vector<1x1024xf32>
    %eq3A_581 = arith.cmpf oeq, %select_n3A_549, %broadcast_in_dim3A_566 : vector<1x1024xf32>
    %le3A_582 = arith.cmpf ole, %select_n3A_550, %broadcast_in_dim3A_579 : vector<1x1024xf32>
    %and3A_583 = arith.andi %eq3A_581, %le3A_582 : vector<1x1024xi1>
    %or3A_584 = arith.ori %lt3A_580, %and3A_583 : vector<1x1024xi1>
    %select_n3A_585 = arith.select %or3A_584, %select_n3A_549, %broadcast_in_dim3A_566 : vector<1x1024xi1>, vector<1x1024xf32>
    %select_n3A_586 = arith.select %or3A_584, %select_n3A_550, %broadcast_in_dim3A_579 : vector<1x1024xi1>, vector<1x1024xf32>
    %le3A_587 = arith.cmpf ole, %convert_element_type3A_449, %select_n3A_585 : vector<1x1024xf32>
    %select_n3A_588 = arith.select %le3A_587, %select_n3A_446, %select_n3A_586 : vector<1x1024xi1>, vector<1x1024xf32>
    %convert_element_type3A_589 = arith.fptosi %select_n3A_588 : vector<1x1024xf32> to vector<1x1024xi32>
    %swap3A_590 = arith.constant 0 : index
    %swap3A_591 = arith.constant 0 : index
    %swap3A_592 = arith.constant 0 : index
    %swap3A_593 = vector.load %arg7[%swap3A_590, %swap3A_591, %swap3A_592] : memref<1x1x1024xi32, #tpu.memory_space<vmem>>, vector<1x1x1024xi32>
    %swap3A_594 = vector.shape_cast %swap3A_593 : vector<1x1x1024xi32> to vector<1x1024xi32>
    %swap3A_595 = vector.shape_cast %convert_element_type3A_589 : vector<1x1024xi32> to vector<1x1x1024xi32>
    tpu.vector_store %arg7[%swap3A_590, %swap3A_591, %swap3A_592], %swap3A_595 {strides = array<i32>} : memref<1x1x1024xi32, #tpu.memory_space<vmem>>, vector<1x1x1024xi32>,
    return
  }
  func.func @transform_0(%arg0: i32) -> (i32, i32, i32) {
    %add3A = arith.constant 0 : i32
    %add3A_0 = arith.addi %arg0, %add3A : i32
    %c0_i32 = arith.constant 0 : i32
    %c0_i32_1 = arith.constant 0 : i32
    %c0_i32_2 = arith.constant 0 : i32
    return %add3A_0, %c0_i32, %c0_i32_1 : i32, i32, i32
  }
  func.func @transform_1(%arg0: i32) -> (i32, i32) {
    %c0_i32 = arith.constant 0 : i32
    %c0_i32_0 = arith.constant 0 : i32
    %c0_i32_1 = arith.constant 0 : i32
    return %c0_i32, %c0_i32_0 : i32, i32
  }
  func.func @transform_2(%arg0: i32) -> (i32, i32) {
    %c0_i32 = arith.constant 0 : i32
    %c0_i32_0 = arith.constant 0 : i32
    %c0_i32_1 = arith.constant 0 : i32
    return %c0_i32, %c0_i32_0 : i32, i32
  }
  func.func @transform_3(%arg0: i32) -> (i32, i32) {
    %c0_i32 = arith.constant 0 : i32
    %c0_i32_0 = arith.constant 0 : i32
    %c0_i32_1 = arith.constant 0 : i32
    return %c0_i32, %c0_i32_0 : i32, i32
  }
  func.func @transform_4(%arg0: i32) -> (i32, i32) {
    %c0_i32 = arith.constant 0 : i32
    %c0_i32_0 = arith.constant 0 : i32
    %c0_i32_1 = arith.constant 0 : i32
    return %c0_i32, %c0_i32_0 : i32, i32
  }
  func.func @transform_5(%arg0: i32) -> (i32, i32, i32) {
    %c0_i32 = arith.constant 0 : i32
    %c0_i32_0 = arith.constant 0 : i32
    %c0_i32_1 = arith.constant 0 : i32
    return %arg0, %c0_i32, %c0_i32_0 : i32, i32, i32
  }
  func.func @transform_6(%arg0: i32) -> (i32, i32, i32) {
    %c0_i32 = arith.constant 0 : i32
    %c0_i32_0 = arith.constant 0 : i32
    %c0_i32_1 = arith.constant 0 : i32
    return %arg0, %c0_i32, %c0_i32_0 : i32, i32, i32
  }
  func.func @transform_7(%arg0: i32) -> (i32, i32) {
    %c0_i32 = arith.constant 0 : i32
    %c0_i32_0 = arith.constant 0 : i32
    %c0_i32_1 = arith.constant 0 : i32
    return %c0_i32, %c0_i32_0 : i32, i32
  }
}

module attributes {stable_mosaic.version = 14 : i64} {
  func.func @_encode_body(%arg0: i32, %arg1: memref<1x384x1024xf32, #tpu.memory_space<vmem>>, %arg2: memref<64x384xf32, #tpu.memory_space<vmem>>, %arg3: memref<64x1xf32, #tpu.memory_space<vmem>>, %arg4: memref<64x1xf32, #tpu.memory_space<vmem>>, %arg5: memref<8192x64xf32, #tpu.memory_space<vmem>>, %arg6: memref<1x64x1024xf32, #tpu.memory_space<vmem>>, %arg7: memref<1x1x1024xi32, #tpu.memory_space<vmem>>) attributes {dimension_semantics = [#tpu.dimension_semantics<arbitrary>], iteration_bounds = array<i64: 4>, scalar_prefetch = 0 : i64, scratch_operands = 0 : i64, tpu.core_type = #tpu.core_type<tc>, window_params = [{transform_indices = @transform_0, window_bounds = array<i64: 1, 384, 1024>}, {pipeline_mode = #tpu.pipeline_mode<synchronous>, transform_indices = @transform_1, window_bounds = array<i64: 64, 384>}, {pipeline_mode = #tpu.pipeline_mode<synchronous>, transform_indices = @transform_2, window_bounds = array<i64: 64, 1>}, {pipeline_mode = #tpu.pipeline_mode<synchronous>, transform_indices = @transform_3, window_bounds = array<i64: 64, 1>}, {pipeline_mode = #tpu.pipeline_mode<synchronous>, transform_indices = @transform_4, window_bounds = array<i64: 8192, 64>}, {transform_indices = @transform_5, window_bounds = array<i64: 1, 64, 1024>}, {transform_indices = @transform_6, window_bounds = array<i64: 1, 1, 1024>}]} {
    %get3A = arith.constant 0 : index
    %get3A_0 = arith.constant 0 : index
    %get3A_1 = vector.load %arg2[%get3A, %get3A_0] : memref<64x384xf32, #tpu.memory_space<vmem>>, vector<64x384xf32>
    %mul3A = arith.mulf %get3A_1, %get3A_1 : vector<64x384xf32>
    %reduce_sum3A = arith.constant dense<0.000000e+00> : vector<64xf32>
    %reduce_sum3A_2 = vector.multi_reduction <add>, %mul3A, %reduce_sum3A [1] : vector<64x384xf32> to vector<64xf32>
    %broadcast_in_dim3A = vector.shape_cast %reduce_sum3A_2 : vector<64xf32> to vector<64x1xf32>
    %sqrt3A = math.sqrt %broadcast_in_dim3A : vector<64x1xf32>
    %get3A_3 = arith.constant 0 : index
    %get3A_4 = arith.constant 0 : index
    %get3A_5 = vector.load %arg3[%get3A_3, %get3A_4] : memref<64x1xf32, #tpu.memory_space<vmem>>, vector<64x1xf32>
    %mul3A_6 = vector.broadcast %get3A_5 : vector<64x1xf32> to vector<64x384xf32>
    %mul3A_7 = arith.mulf %mul3A_6, %get3A_1 : vector<64x384xf32>
    %div3A = vector.broadcast %sqrt3A : vector<64x1xf32> to vector<64x384xf32>
    %div3A_8 = arith.divf %mul3A_7, %div3A : vector<64x384xf32>
    %get3A_9 = arith.constant 0 : index
    %get3A_10 = arith.constant 0 : index
    %get3A_11 = arith.constant 0 : index
    %get3A_12 = vector.load %arg1[%get3A_9, %get3A_10, %get3A_11] : memref<1x384x1024xf32, #tpu.memory_space<vmem>>, vector<1x384x1024xf32>
    %get3A_13 = vector.shape_cast %get3A_12 : vector<1x384x1024xf32> to vector<384x1024xf32>
    %dot_general3A = arith.constant dense<0.000000e+00> : vector<64x1024xf32>
    %dot_general3A_14 = tpu.matmul %div3A_8, %get3A_13, %dot_general3A {dimension_numbers = #tpu.dot_dimension_numbers<[1], [0], [0], [1], [0, 0, 1, 1], [], []>, transpose_lhs_hint = false} : vector<64x384xf32>, vector<384x1024xf32>, vector<64x1024xf32> -> vector<64x1024xf32>
    %get3A_15 = arith.constant 0 : index
    %get3A_16 = arith.constant 0 : index
    %get3A_17 = vector.load %arg4[%get3A_15, %get3A_16] : memref<64x1xf32, #tpu.memory_space<vmem>>, vector<64x1xf32>
    %add3A = vector.broadcast %get3A_17 : vector<64x1xf32> to vector<64x1024xf32>
    %add3A_18 = arith.addf %dot_general3A_14, %add3A : vector<64x1024xf32>
    %swap3A = arith.constant 0 : index
    %swap3A_19 = arith.constant 0 : index
    %swap3A_20 = arith.constant 0 : index
    %swap3A_21 = vector.load %arg6[%swap3A, %swap3A_19, %swap3A_20] : memref<1x64x1024xf32, #tpu.memory_space<vmem>>, vector<1x64x1024xf32>
    %swap3A_22 = vector.shape_cast %swap3A_21 : vector<1x64x1024xf32> to vector<64x1024xf32>
    %swap3A_23 = vector.shape_cast %add3A_18 : vector<64x1024xf32> to vector<1x64x1024xf32>
    tpu.vector_store %arg6[%swap3A, %swap3A_19, %swap3A_20], %swap3A_23 {strides = array<i32>} : memref<1x64x1024xf32, #tpu.memory_space<vmem>>, vector<1x64x1024xf32>,
    %mul3A_24 = arith.constant 2.000000e+00 : f32
    %mul3A_25 = vector.broadcast %mul3A_24 : f32 to vector<64x1024xf32>
    %mul3A_26 = arith.mulf %mul3A_25, %add3A_18 : vector<64x1024xf32>
    %convert_element_type3A = arith.truncf %mul3A_26 : vector<64x1024xf32> to vector<64x1024xbf16>
    %mul3A_27 = arith.mulf %add3A_18, %add3A_18 : vector<64x1024xf32>
    %reduce_sum3A_28 = arith.constant dense<0.000000e+00> : vector<1024xf32>
    %reduce_sum3A_29 = vector.multi_reduction <add>, %mul3A_27, %reduce_sum3A_28 [0] : vector<64x1024xf32> to vector<1024xf32>
    %broadcast_in_dim3A_30 = vector.shape_cast %reduce_sum3A_29 : vector<1024xf32> to vector<1x1024xf32>
    %iota3A = tpu.iota {dimensions = array<i32: 0>} : vector<512x1xi32>
    %convert_element_type3A_31 = arith.sitofp %iota3A : vector<512x1xi32> to vector<512x1xf32>
    %get3A_32 = arith.constant 0 : index
    %get3A_33 = arith.constant 0 : index
    %get3A_34 = vector.load %arg5[%get3A_32, %get3A_33] : memref<8192x64xf32, #tpu.memory_space<vmem>>, vector<512x64xf32>
    %mul3A_35 = arith.mulf %get3A_34, %get3A_34 : vector<512x64xf32>
    %reduce_sum3A_36 = arith.constant dense<0.000000e+00> : vector<512xf32>
    %reduce_sum3A_37 = vector.multi_reduction <add>, %mul3A_35, %reduce_sum3A_36 [1] : vector<512x64xf32> to vector<512xf32>
    %broadcast_in_dim3A_38 = vector.shape_cast %reduce_sum3A_37 : vector<512xf32> to vector<512x1xf32>
    %dot_general3A_39 = arith.constant dense<0.000000e+00> : vector<512x1024xf32>
    %dot_general3A_40 = tpu.matmul %get3A_34, %convert_element_type3A, %dot_general3A_39 {dimension_numbers = #tpu.dot_dimension_numbers<[1], [0], [0], [1], [0, 0, 1, 1], [], []>, transpose_lhs_hint = false} : vector<512x64xf32>, vector<64x1024xbf16>, vector<512x1024xf32> -> vector<512x1024xf32>
    %sub3A = vector.broadcast %broadcast_in_dim3A_30 : vector<1x1024xf32> to vector<512x1024xf32>
    %sub3A_41 = arith.subf %sub3A, %dot_general3A_40 : vector<512x1024xf32>
    %add3A_42 = vector.broadcast %broadcast_in_dim3A_38 : vector<512x1xf32> to vector<512x1024xf32>
    %add3A_43 = arith.addf %sub3A_41, %add3A_42 : vector<512x1024xf32>
    %reduce_min3A = arith.constant dense<0x7F800000> : vector<1024xf32>
    %reduce_min3A_44 = vector.multi_reduction <minimumf>, %add3A_43, %reduce_min3A [0] : vector<512x1024xf32> to vector<1024xf32>
    %broadcast_in_dim3A_45 = vector.shape_cast %reduce_min3A_44 : vector<1024xf32> to vector<1x1024xf32>
    %add3A_46 = arith.constant 0.000000e+00 : f32
    %add3A_47 = vector.broadcast %add3A_46 : f32 to vector<512x1xf32>
    %add3A_48 = arith.addf %convert_element_type3A_31, %add3A_47 : vector<512x1xf32>
    %eq3A = vector.broadcast %broadcast_in_dim3A_45 : vector<1x1024xf32> to vector<512x1024xf32>
    %eq3A_49 = arith.cmpf oeq, %add3A_43, %eq3A : vector<512x1024xf32>
    %jit3A = arith.constant 3.000000e+38 : f32
    %broadcast_in_dim3A_50 = vector.shape_cast %add3A_48 : vector<512x1xf32> to vector<512x1xf32>
    %broadcast_in_dim3A_51 = vector.broadcast %broadcast_in_dim3A_50 : vector<512x1xf32> to vector<512x1024xf32>
    %broadcast_in_dim3A_52 = vector.broadcast %jit3A : f32 to vector<512x1024xf32>
    %select_n3A = arith.select %eq3A_49, %broadcast_in_dim3A_51, %broadcast_in_dim3A_52 : vector<512x1024xi1>, vector<512x1024xf32>
    %reduce_min3A_53 = arith.constant dense<0x7F800000> : vector<1024xf32>
    %reduce_min3A_54 = vector.multi_reduction <minimumf>, %select_n3A, %reduce_min3A_53 [0] : vector<512x1024xf32> to vector<1024xf32>
    %broadcast_in_dim3A_55 = vector.shape_cast %reduce_min3A_54 : vector<1024xf32> to vector<1x1024xf32>
    %get3A_56 = arith.constant 512 : index
    %get3A_57 = arith.constant 0 : index
    %get3A_58 = vector.load %arg5[%get3A_56, %get3A_57] : memref<8192x64xf32, #tpu.memory_space<vmem>>, vector<512x64xf32>
    %mul3A_59 = arith.mulf %get3A_58, %get3A_58 : vector<512x64xf32>
    %reduce_sum3A_60 = arith.constant dense<0.000000e+00> : vector<512xf32>
    %reduce_sum3A_61 = vector.multi_reduction <add>, %mul3A_59, %reduce_sum3A_60 [1] : vector<512x64xf32> to vector<512xf32>
    %broadcast_in_dim3A_62 = vector.shape_cast %reduce_sum3A_61 : vector<512xf32> to vector<512x1xf32>
    %dot_general3A_63 = arith.constant dense<0.000000e+00> : vector<512x1024xf32>
    %dot_general3A_64 = tpu.matmul %get3A_58, %convert_element_type3A, %dot_general3A_63 {dimension_numbers = #tpu.dot_dimension_numbers<[1], [0], [0], [1], [0, 0, 1, 1], [], []>, transpose_lhs_hint = false} : vector<512x64xf32>, vector<64x1024xbf16>, vector<512x1024xf32> -> vector<512x1024xf32>
    %sub3A_65 = vector.broadcast %broadcast_in_dim3A_30 : vector<1x1024xf32> to vector<512x1024xf32>
    %sub3A_66 = arith.subf %sub3A_65, %dot_general3A_64 : vector<512x1024xf32>
    %add3A_67 = vector.broadcast %broadcast_in_dim3A_62 : vector<512x1xf32> to vector<512x1024xf32>
    %add3A_68 = arith.addf %sub3A_66, %add3A_67 : vector<512x1024xf32>
    %reduce_min3A_69 = arith.constant dense<0x7F800000> : vector<1024xf32>
    %reduce_min3A_70 = vector.multi_reduction <minimumf>, %add3A_68, %reduce_min3A_69 [0] : vector<512x1024xf32> to vector<1024xf32>
    %broadcast_in_dim3A_71 = vector.shape_cast %reduce_min3A_70 : vector<1024xf32> to vector<1x1024xf32>
    %add3A_72 = arith.constant 5.120000e+02 : f32
    %add3A_73 = vector.broadcast %add3A_72 : f32 to vector<512x1xf32>
    %add3A_74 = arith.addf %convert_element_type3A_31, %add3A_73 : vector<512x1xf32>
    %eq3A_75 = vector.broadcast %broadcast_in_dim3A_71 : vector<1x1024xf32> to vector<512x1024xf32>
    %eq3A_76 = arith.cmpf oeq, %add3A_68, %eq3A_75 : vector<512x1024xf32>
    %jit3A_77 = arith.constant 3.000000e+38 : f32
    %broadcast_in_dim3A_78 = vector.shape_cast %add3A_74 : vector<512x1xf32> to vector<512x1xf32>
    %broadcast_in_dim3A_79 = vector.broadcast %broadcast_in_dim3A_78 : vector<512x1xf32> to vector<512x1024xf32>
    %broadcast_in_dim3A_80 = vector.broadcast %jit3A_77 : f32 to vector<512x1024xf32>
    %select_n3A_81 = arith.select %eq3A_76, %broadcast_in_dim3A_79, %broadcast_in_dim3A_80 : vector<512x1024xi1>, vector<512x1024xf32>
    %reduce_min3A_82 = arith.constant dense<0x7F800000> : vector<1024xf32>
    %reduce_min3A_83 = vector.multi_reduction <minimumf>, %select_n3A_81, %reduce_min3A_82 [0] : vector<512x1024xf32> to vector<1024xf32>
    %broadcast_in_dim3A_84 = vector.shape_cast %reduce_min3A_83 : vector<1024xf32> to vector<1x1024xf32>
    %lt3A = arith.cmpf olt, %broadcast_in_dim3A_45, %broadcast_in_dim3A_71 : vector<1x1024xf32>
    %eq3A_85 = arith.cmpf oeq, %broadcast_in_dim3A_45, %broadcast_in_dim3A_71 : vector<1x1024xf32>
    %le3A = arith.cmpf ole, %broadcast_in_dim3A_55, %broadcast_in_dim3A_84 : vector<1x1024xf32>
    %and3A = arith.andi %eq3A_85, %le3A : vector<1x1024xi1>
    %or3A = arith.ori %lt3A, %and3A : vector<1x1024xi1>
    %select_n3A_86 = arith.select %or3A, %broadcast_in_dim3A_45, %broadcast_in_dim3A_71 : vector<1x1024xi1>, vector<1x1024xf32>
    %select_n3A_87 = arith.select %or3A, %broadcast_in_dim3A_55, %broadcast_in_dim3A_84 : vector<1x1024xi1>, vector<1x1024xf32>
    %get3A_88 = arith.constant 1024 : index
    %get3A_89 = arith.constant 0 : index
    %get3A_90 = vector.load %arg5[%get3A_88, %get3A_89] : memref<8192x64xf32, #tpu.memory_space<vmem>>, vector<512x64xf32>
    %mul3A_91 = arith.mulf %get3A_90, %get3A_90 : vector<512x64xf32>
    %reduce_sum3A_92 = arith.constant dense<0.000000e+00> : vector<512xf32>
    %reduce_sum3A_93 = vector.multi_reduction <add>, %mul3A_91, %reduce_sum3A_92 [1] : vector<512x64xf32> to vector<512xf32>
    %broadcast_in_dim3A_94 = vector.shape_cast %reduce_sum3A_93 : vector<512xf32> to vector<512x1xf32>
    %dot_general3A_95 = arith.constant dense<0.000000e+00> : vector<512x1024xf32>
    %dot_general3A_96 = tpu.matmul %get3A_90, %convert_element_type3A, %dot_general3A_95 {dimension_numbers = #tpu.dot_dimension_numbers<[1], [0], [0], [1], [0, 0, 1, 1], [], []>, transpose_lhs_hint = false} : vector<512x64xf32>, vector<64x1024xbf16>, vector<512x1024xf32> -> vector<512x1024xf32>
    %sub3A_97 = vector.broadcast %broadcast_in_dim3A_30 : vector<1x1024xf32> to vector<512x1024xf32>
    %sub3A_98 = arith.subf %sub3A_97, %dot_general3A_96 : vector<512x1024xf32>
    %add3A_99 = vector.broadcast %broadcast_in_dim3A_94 : vector<512x1xf32> to vector<512x1024xf32>
    %add3A_100 = arith.addf %sub3A_98, %add3A_99 : vector<512x1024xf32>
    %reduce_min3A_101 = arith.constant dense<0x7F800000> : vector<1024xf32>
    %reduce_min3A_102 = vector.multi_reduction <minimumf>, %add3A_100, %reduce_min3A_101 [0] : vector<512x1024xf32> to vector<1024xf32>
    %broadcast_in_dim3A_103 = vector.shape_cast %reduce_min3A_102 : vector<1024xf32> to vector<1x1024xf32>
    %add3A_104 = arith.constant 1.024000e+03 : f32
    %add3A_105 = vector.broadcast %add3A_104 : f32 to vector<512x1xf32>
    %add3A_106 = arith.addf %convert_element_type3A_31, %add3A_105 : vector<512x1xf32>
    %eq3A_107 = vector.broadcast %broadcast_in_dim3A_103 : vector<1x1024xf32> to vector<512x1024xf32>
    %eq3A_108 = arith.cmpf oeq, %add3A_100, %eq3A_107 : vector<512x1024xf32>
    %jit3A_109 = arith.constant 3.000000e+38 : f32
    %broadcast_in_dim3A_110 = vector.shape_cast %add3A_106 : vector<512x1xf32> to vector<512x1xf32>
    %broadcast_in_dim3A_111 = vector.broadcast %broadcast_in_dim3A_110 : vector<512x1xf32> to vector<512x1024xf32>
    %broadcast_in_dim3A_112 = vector.broadcast %jit3A_109 : f32 to vector<512x1024xf32>
    %select_n3A_113 = arith.select %eq3A_108, %broadcast_in_dim3A_111, %broadcast_in_dim3A_112 : vector<512x1024xi1>, vector<512x1024xf32>
    %reduce_min3A_114 = arith.constant dense<0x7F800000> : vector<1024xf32>
    %reduce_min3A_115 = vector.multi_reduction <minimumf>, %select_n3A_113, %reduce_min3A_114 [0] : vector<512x1024xf32> to vector<1024xf32>
    %broadcast_in_dim3A_116 = vector.shape_cast %reduce_min3A_115 : vector<1024xf32> to vector<1x1024xf32>
    %lt3A_117 = arith.cmpf olt, %select_n3A_86, %broadcast_in_dim3A_103 : vector<1x1024xf32>
    %eq3A_118 = arith.cmpf oeq, %select_n3A_86, %broadcast_in_dim3A_103 : vector<1x1024xf32>
    %le3A_119 = arith.cmpf ole, %select_n3A_87, %broadcast_in_dim3A_116 : vector<1x1024xf32>
    %and3A_120 = arith.andi %eq3A_118, %le3A_119 : vector<1x1024xi1>
    %or3A_121 = arith.ori %lt3A_117, %and3A_120 : vector<1x1024xi1>
    %select_n3A_122 = arith.select %or3A_121, %select_n3A_86, %broadcast_in_dim3A_103 : vector<1x1024xi1>, vector<1x1024xf32>
    %select_n3A_123 = arith.select %or3A_121, %select_n3A_87, %broadcast_in_dim3A_116 : vector<1x1024xi1>, vector<1x1024xf32>
    %get3A_124 = arith.constant 1536 : index
    %get3A_125 = arith.constant 0 : index
    %get3A_126 = vector.load %arg5[%get3A_124, %get3A_125] : memref<8192x64xf32, #tpu.memory_space<vmem>>, vector<512x64xf32>
    %mul3A_127 = arith.mulf %get3A_126, %get3A_126 : vector<512x64xf32>
    %reduce_sum3A_128 = arith.constant dense<0.000000e+00> : vector<512xf32>
    %reduce_sum3A_129 = vector.multi_reduction <add>, %mul3A_127, %reduce_sum3A_128 [1] : vector<512x64xf32> to vector<512xf32>
    %broadcast_in_dim3A_130 = vector.shape_cast %reduce_sum3A_129 : vector<512xf32> to vector<512x1xf32>
    %dot_general3A_131 = arith.constant dense<0.000000e+00> : vector<512x1024xf32>
    %dot_general3A_132 = tpu.matmul %get3A_126, %convert_element_type3A, %dot_general3A_131 {dimension_numbers = #tpu.dot_dimension_numbers<[1], [0], [0], [1], [0, 0, 1, 1], [], []>, transpose_lhs_hint = false} : vector<512x64xf32>, vector<64x1024xbf16>, vector<512x1024xf32> -> vector<512x1024xf32>
    %sub3A_133 = vector.broadcast %broadcast_in_dim3A_30 : vector<1x1024xf32> to vector<512x1024xf32>
    %sub3A_134 = arith.subf %sub3A_133, %dot_general3A_132 : vector<512x1024xf32>
    %add3A_135 = vector.broadcast %broadcast_in_dim3A_130 : vector<512x1xf32> to vector<512x1024xf32>
    %add3A_136 = arith.addf %sub3A_134, %add3A_135 : vector<512x1024xf32>
    %reduce_min3A_137 = arith.constant dense<0x7F800000> : vector<1024xf32>
    %reduce_min3A_138 = vector.multi_reduction <minimumf>, %add3A_136, %reduce_min3A_137 [0] : vector<512x1024xf32> to vector<1024xf32>
    %broadcast_in_dim3A_139 = vector.shape_cast %reduce_min3A_138 : vector<1024xf32> to vector<1x1024xf32>
    %add3A_140 = arith.constant 1.536000e+03 : f32
    %add3A_141 = vector.broadcast %add3A_140 : f32 to vector<512x1xf32>
    %add3A_142 = arith.addf %convert_element_type3A_31, %add3A_141 : vector<512x1xf32>
    %eq3A_143 = vector.broadcast %broadcast_in_dim3A_139 : vector<1x1024xf32> to vector<512x1024xf32>
    %eq3A_144 = arith.cmpf oeq, %add3A_136, %eq3A_143 : vector<512x1024xf32>
    %jit3A_145 = arith.constant 3.000000e+38 : f32
    %broadcast_in_dim3A_146 = vector.shape_cast %add3A_142 : vector<512x1xf32> to vector<512x1xf32>
    %broadcast_in_dim3A_147 = vector.broadcast %broadcast_in_dim3A_146 : vector<512x1xf32> to vector<512x1024xf32>
    %broadcast_in_dim3A_148 = vector.broadcast %jit3A_145 : f32 to vector<512x1024xf32>
    %select_n3A_149 = arith.select %eq3A_144, %broadcast_in_dim3A_147, %broadcast_in_dim3A_148 : vector<512x1024xi1>, vector<512x1024xf32>
    %reduce_min3A_150 = arith.constant dense<0x7F800000> : vector<1024xf32>
    %reduce_min3A_151 = vector.multi_reduction <minimumf>, %select_n3A_149, %reduce_min3A_150 [0] : vector<512x1024xf32> to vector<1024xf32>
    %broadcast_in_dim3A_152 = vector.shape_cast %reduce_min3A_151 : vector<1024xf32> to vector<1x1024xf32>
    %lt3A_153 = arith.cmpf olt, %select_n3A_122, %broadcast_in_dim3A_139 : vector<1x1024xf32>
    %eq3A_154 = arith.cmpf oeq, %select_n3A_122, %broadcast_in_dim3A_139 : vector<1x1024xf32>
    %le3A_155 = arith.cmpf ole, %select_n3A_123, %broadcast_in_dim3A_152 : vector<1x1024xf32>
    %and3A_156 = arith.andi %eq3A_154, %le3A_155 : vector<1x1024xi1>
    %or3A_157 = arith.ori %lt3A_153, %and3A_156 : vector<1x1024xi1>
    %select_n3A_158 = arith.select %or3A_157, %select_n3A_122, %broadcast_in_dim3A_139 : vector<1x1024xi1>, vector<1x1024xf32>
    %select_n3A_159 = arith.select %or3A_157, %select_n3A_123, %broadcast_in_dim3A_152 : vector<1x1024xi1>, vector<1x1024xf32>
    %convert_element_type3A_160 = arith.truncf %select_n3A_158 : vector<1x1024xf32> to vector<1x1024xbf16>
    %convert_element_type3A_161 = arith.extf %convert_element_type3A_160 : vector<1x1024xbf16> to vector<1x1024xf32>
    %get3A_162 = arith.constant 2048 : index
    %get3A_163 = arith.constant 0 : index
    %get3A_164 = vector.load %arg5[%get3A_162, %get3A_163] : memref<8192x64xf32, #tpu.memory_space<vmem>>, vector<512x64xf32>
    %mul3A_165 = arith.mulf %get3A_164, %get3A_164 : vector<512x64xf32>
    %reduce_sum3A_166 = arith.constant dense<0.000000e+00> : vector<512xf32>
    %reduce_sum3A_167 = vector.multi_reduction <add>, %mul3A_165, %reduce_sum3A_166 [1] : vector<512x64xf32> to vector<512xf32>
    %broadcast_in_dim3A_168 = vector.shape_cast %reduce_sum3A_167 : vector<512xf32> to vector<512x1xf32>
    %dot_general3A_169 = arith.constant dense<0.000000e+00> : vector<512x1024xf32>
    %dot_general3A_170 = tpu.matmul %get3A_164, %convert_element_type3A, %dot_general3A_169 {dimension_numbers = #tpu.dot_dimension_numbers<[1], [0], [0], [1], [0, 0, 1, 1], [], []>, transpose_lhs_hint = false} : vector<512x64xf32>, vector<64x1024xbf16>, vector<512x1024xf32> -> vector<512x1024xf32>
    %sub3A_171 = vector.broadcast %broadcast_in_dim3A_30 : vector<1x1024xf32> to vector<512x1024xf32>
    %sub3A_172 = arith.subf %sub3A_171, %dot_general3A_170 : vector<512x1024xf32>
    %add3A_173 = vector.broadcast %broadcast_in_dim3A_168 : vector<512x1xf32> to vector<512x1024xf32>
    %add3A_174 = arith.addf %sub3A_172, %add3A_173 : vector<512x1024xf32>
    %reduce_min3A_175 = arith.constant dense<0x7F800000> : vector<1024xf32>
    %reduce_min3A_176 = vector.multi_reduction <minimumf>, %add3A_174, %reduce_min3A_175 [0] : vector<512x1024xf32> to vector<1024xf32>
    %broadcast_in_dim3A_177 = vector.shape_cast %reduce_min3A_176 : vector<1024xf32> to vector<1x1024xf32>
    %add3A_178 = arith.constant 2.048000e+03 : f32
    %add3A_179 = vector.broadcast %add3A_178 : f32 to vector<512x1xf32>
    %add3A_180 = arith.addf %convert_element_type3A_31, %add3A_179 : vector<512x1xf32>
    %eq3A_181 = vector.broadcast %broadcast_in_dim3A_177 : vector<1x1024xf32> to vector<512x1024xf32>
    %eq3A_182 = arith.cmpf oeq, %add3A_174, %eq3A_181 : vector<512x1024xf32>
    %jit3A_183 = arith.constant 3.000000e+38 : f32
    %broadcast_in_dim3A_184 = vector.shape_cast %add3A_180 : vector<512x1xf32> to vector<512x1xf32>
    %broadcast_in_dim3A_185 = vector.broadcast %broadcast_in_dim3A_184 : vector<512x1xf32> to vector<512x1024xf32>
    %broadcast_in_dim3A_186 = vector.broadcast %jit3A_183 : f32 to vector<512x1024xf32>
    %select_n3A_187 = arith.select %eq3A_182, %broadcast_in_dim3A_185, %broadcast_in_dim3A_186 : vector<512x1024xi1>, vector<512x1024xf32>
    %reduce_min3A_188 = arith.constant dense<0x7F800000> : vector<1024xf32>
    %reduce_min3A_189 = vector.multi_reduction <minimumf>, %select_n3A_187, %reduce_min3A_188 [0] : vector<512x1024xf32> to vector<1024xf32>
    %broadcast_in_dim3A_190 = vector.shape_cast %reduce_min3A_189 : vector<1024xf32> to vector<1x1024xf32>
    %get3A_191 = arith.constant 2560 : index
    %get3A_192 = arith.constant 0 : index
    %get3A_193 = vector.load %arg5[%get3A_191, %get3A_192] : memref<8192x64xf32, #tpu.memory_space<vmem>>, vector<512x64xf32>
    %mul3A_194 = arith.mulf %get3A_193, %get3A_193 : vector<512x64xf32>
    %reduce_sum3A_195 = arith.constant dense<0.000000e+00> : vector<512xf32>
    %reduce_sum3A_196 = vector.multi_reduction <add>, %mul3A_194, %reduce_sum3A_195 [1] : vector<512x64xf32> to vector<512xf32>
    %broadcast_in_dim3A_197 = vector.shape_cast %reduce_sum3A_196 : vector<512xf32> to vector<512x1xf32>
    %dot_general3A_198 = arith.constant dense<0.000000e+00> : vector<512x1024xf32>
    %dot_general3A_199 = tpu.matmul %get3A_193, %convert_element_type3A, %dot_general3A_198 {dimension_numbers = #tpu.dot_dimension_numbers<[1], [0], [0], [1], [0, 0, 1, 1], [], []>, transpose_lhs_hint = false} : vector<512x64xf32>, vector<64x1024xbf16>, vector<512x1024xf32> -> vector<512x1024xf32>
    %sub3A_200 = vector.broadcast %broadcast_in_dim3A_30 : vector<1x1024xf32> to vector<512x1024xf32>
    %sub3A_201 = arith.subf %sub3A_200, %dot_general3A_199 : vector<512x1024xf32>
    %add3A_202 = vector.broadcast %broadcast_in_dim3A_197 : vector<512x1xf32> to vector<512x1024xf32>
    %add3A_203 = arith.addf %sub3A_201, %add3A_202 : vector<512x1024xf32>
    %reduce_min3A_204 = arith.constant dense<0x7F800000> : vector<1024xf32>
    %reduce_min3A_205 = vector.multi_reduction <minimumf>, %add3A_203, %reduce_min3A_204 [0] : vector<512x1024xf32> to vector<1024xf32>
    %broadcast_in_dim3A_206 = vector.shape_cast %reduce_min3A_205 : vector<1024xf32> to vector<1x1024xf32>
    %add3A_207 = arith.constant 2.560000e+03 : f32
    %add3A_208 = vector.broadcast %add3A_207 : f32 to vector<512x1xf32>
    %add3A_209 = arith.addf %convert_element_type3A_31, %add3A_208 : vector<512x1xf32>
    %eq3A_210 = vector.broadcast %broadcast_in_dim3A_206 : vector<1x1024xf32> to vector<512x1024xf32>
    %eq3A_211 = arith.cmpf oeq, %add3A_203, %eq3A_210 : vector<512x1024xf32>
    %jit3A_212 = arith.constant 3.000000e+38 : f32
    %broadcast_in_dim3A_213 = vector.shape_cast %add3A_209 : vector<512x1xf32> to vector<512x1xf32>
    %broadcast_in_dim3A_214 = vector.broadcast %broadcast_in_dim3A_213 : vector<512x1xf32> to vector<512x1024xf32>
    %broadcast_in_dim3A_215 = vector.broadcast %jit3A_212 : f32 to vector<512x1024xf32>
    %select_n3A_216 = arith.select %eq3A_211, %broadcast_in_dim3A_214, %broadcast_in_dim3A_215 : vector<512x1024xi1>, vector<512x1024xf32>
    %reduce_min3A_217 = arith.constant dense<0x7F800000> : vector<1024xf32>
    %reduce_min3A_218 = vector.multi_reduction <minimumf>, %select_n3A_216, %reduce_min3A_217 [0] : vector<512x1024xf32> to vector<1024xf32>
    %broadcast_in_dim3A_219 = vector.shape_cast %reduce_min3A_218 : vector<1024xf32> to vector<1x1024xf32>
    %lt3A_220 = arith.cmpf olt, %broadcast_in_dim3A_177, %broadcast_in_dim3A_206 : vector<1x1024xf32>
    %eq3A_221 = arith.cmpf oeq, %broadcast_in_dim3A_177, %broadcast_in_dim3A_206 : vector<1x1024xf32>
    %le3A_222 = arith.cmpf ole, %broadcast_in_dim3A_190, %broadcast_in_dim3A_219 : vector<1x1024xf32>
    %and3A_223 = arith.andi %eq3A_221, %le3A_222 : vector<1x1024xi1>
    %or3A_224 = arith.ori %lt3A_220, %and3A_223 : vector<1x1024xi1>
    %select_n3A_225 = arith.select %or3A_224, %broadcast_in_dim3A_177, %broadcast_in_dim3A_206 : vector<1x1024xi1>, vector<1x1024xf32>
    %select_n3A_226 = arith.select %or3A_224, %broadcast_in_dim3A_190, %broadcast_in_dim3A_219 : vector<1x1024xi1>, vector<1x1024xf32>
    %get3A_227 = arith.constant 3072 : index
    %get3A_228 = arith.constant 0 : index
    %get3A_229 = vector.load %arg5[%get3A_227, %get3A_228] : memref<8192x64xf32, #tpu.memory_space<vmem>>, vector<512x64xf32>
    %mul3A_230 = arith.mulf %get3A_229, %get3A_229 : vector<512x64xf32>
    %reduce_sum3A_231 = arith.constant dense<0.000000e+00> : vector<512xf32>
    %reduce_sum3A_232 = vector.multi_reduction <add>, %mul3A_230, %reduce_sum3A_231 [1] : vector<512x64xf32> to vector<512xf32>
    %broadcast_in_dim3A_233 = vector.shape_cast %reduce_sum3A_232 : vector<512xf32> to vector<512x1xf32>
    %dot_general3A_234 = arith.constant dense<0.000000e+00> : vector<512x1024xf32>
    %dot_general3A_235 = tpu.matmul %get3A_229, %convert_element_type3A, %dot_general3A_234 {dimension_numbers = #tpu.dot_dimension_numbers<[1], [0], [0], [1], [0, 0, 1, 1], [], []>, transpose_lhs_hint = false} : vector<512x64xf32>, vector<64x1024xbf16>, vector<512x1024xf32> -> vector<512x1024xf32>
    %sub3A_236 = vector.broadcast %broadcast_in_dim3A_30 : vector<1x1024xf32> to vector<512x1024xf32>
    %sub3A_237 = arith.subf %sub3A_236, %dot_general3A_235 : vector<512x1024xf32>
    %add3A_238 = vector.broadcast %broadcast_in_dim3A_233 : vector<512x1xf32> to vector<512x1024xf32>
    %add3A_239 = arith.addf %sub3A_237, %add3A_238 : vector<512x1024xf32>
    %reduce_min3A_240 = arith.constant dense<0x7F800000> : vector<1024xf32>
    %reduce_min3A_241 = vector.multi_reduction <minimumf>, %add3A_239, %reduce_min3A_240 [0] : vector<512x1024xf32> to vector<1024xf32>
    %broadcast_in_dim3A_242 = vector.shape_cast %reduce_min3A_241 : vector<1024xf32> to vector<1x1024xf32>
    %add3A_243 = arith.constant 3.072000e+03 : f32
    %add3A_244 = vector.broadcast %add3A_243 : f32 to vector<512x1xf32>
    %add3A_245 = arith.addf %convert_element_type3A_31, %add3A_244 : vector<512x1xf32>
    %eq3A_246 = vector.broadcast %broadcast_in_dim3A_242 : vector<1x1024xf32> to vector<512x1024xf32>
    %eq3A_247 = arith.cmpf oeq, %add3A_239, %eq3A_246 : vector<512x1024xf32>
    %jit3A_248 = arith.constant 3.000000e+38 : f32
    %broadcast_in_dim3A_249 = vector.shape_cast %add3A_245 : vector<512x1xf32> to vector<512x1xf32>
    %broadcast_in_dim3A_250 = vector.broadcast %broadcast_in_dim3A_249 : vector<512x1xf32> to vector<512x1024xf32>
    %broadcast_in_dim3A_251 = vector.broadcast %jit3A_248 : f32 to vector<512x1024xf32>
    %select_n3A_252 = arith.select %eq3A_247, %broadcast_in_dim3A_250, %broadcast_in_dim3A_251 : vector<512x1024xi1>, vector<512x1024xf32>
    %reduce_min3A_253 = arith.constant dense<0x7F800000> : vector<1024xf32>
    %reduce_min3A_254 = vector.multi_reduction <minimumf>, %select_n3A_252, %reduce_min3A_253 [0] : vector<512x1024xf32> to vector<1024xf32>
    %broadcast_in_dim3A_255 = vector.shape_cast %reduce_min3A_254 : vector<1024xf32> to vector<1x1024xf32>
    %lt3A_256 = arith.cmpf olt, %select_n3A_225, %broadcast_in_dim3A_242 : vector<1x1024xf32>
    %eq3A_257 = arith.cmpf oeq, %select_n3A_225, %broadcast_in_dim3A_242 : vector<1x1024xf32>
    %le3A_258 = arith.cmpf ole, %select_n3A_226, %broadcast_in_dim3A_255 : vector<1x1024xf32>
    %and3A_259 = arith.andi %eq3A_257, %le3A_258 : vector<1x1024xi1>
    %or3A_260 = arith.ori %lt3A_256, %and3A_259 : vector<1x1024xi1>
    %select_n3A_261 = arith.select %or3A_260, %select_n3A_225, %broadcast_in_dim3A_242 : vector<1x1024xi1>, vector<1x1024xf32>
    %select_n3A_262 = arith.select %or3A_260, %select_n3A_226, %broadcast_in_dim3A_255 : vector<1x1024xi1>, vector<1x1024xf32>
    %get3A_263 = arith.constant 3584 : index
    %get3A_264 = arith.constant 0 : index
    %get3A_265 = vector.load %arg5[%get3A_263, %get3A_264] : memref<8192x64xf32, #tpu.memory_space<vmem>>, vector<512x64xf32>
    %mul3A_266 = arith.mulf %get3A_265, %get3A_265 : vector<512x64xf32>
    %reduce_sum3A_267 = arith.constant dense<0.000000e+00> : vector<512xf32>
    %reduce_sum3A_268 = vector.multi_reduction <add>, %mul3A_266, %reduce_sum3A_267 [1] : vector<512x64xf32> to vector<512xf32>
    %broadcast_in_dim3A_269 = vector.shape_cast %reduce_sum3A_268 : vector<512xf32> to vector<512x1xf32>
    %dot_general3A_270 = arith.constant dense<0.000000e+00> : vector<512x1024xf32>
    %dot_general3A_271 = tpu.matmul %get3A_265, %convert_element_type3A, %dot_general3A_270 {dimension_numbers = #tpu.dot_dimension_numbers<[1], [0], [0], [1], [0, 0, 1, 1], [], []>, transpose_lhs_hint = false} : vector<512x64xf32>, vector<64x1024xbf16>, vector<512x1024xf32> -> vector<512x1024xf32>
    %sub3A_272 = vector.broadcast %broadcast_in_dim3A_30 : vector<1x1024xf32> to vector<512x1024xf32>
    %sub3A_273 = arith.subf %sub3A_272, %dot_general3A_271 : vector<512x1024xf32>
    %add3A_274 = vector.broadcast %broadcast_in_dim3A_269 : vector<512x1xf32> to vector<512x1024xf32>
    %add3A_275 = arith.addf %sub3A_273, %add3A_274 : vector<512x1024xf32>
    %reduce_min3A_276 = arith.constant dense<0x7F800000> : vector<1024xf32>
    %reduce_min3A_277 = vector.multi_reduction <minimumf>, %add3A_275, %reduce_min3A_276 [0] : vector<512x1024xf32> to vector<1024xf32>
    %broadcast_in_dim3A_278 = vector.shape_cast %reduce_min3A_277 : vector<1024xf32> to vector<1x1024xf32>
    %add3A_279 = arith.constant 3.584000e+03 : f32
    %add3A_280 = vector.broadcast %add3A_279 : f32 to vector<512x1xf32>
    %add3A_281 = arith.addf %convert_element_type3A_31, %add3A_280 : vector<512x1xf32>
    %eq3A_282 = vector.broadcast %broadcast_in_dim3A_278 : vector<1x1024xf32> to vector<512x1024xf32>
    %eq3A_283 = arith.cmpf oeq, %add3A_275, %eq3A_282 : vector<512x1024xf32>
    %jit3A_284 = arith.constant 3.000000e+38 : f32
    %broadcast_in_dim3A_285 = vector.shape_cast %add3A_281 : vector<512x1xf32> to vector<512x1xf32>
    %broadcast_in_dim3A_286 = vector.broadcast %broadcast_in_dim3A_285 : vector<512x1xf32> to vector<512x1024xf32>
    %broadcast_in_dim3A_287 = vector.broadcast %jit3A_284 : f32 to vector<512x1024xf32>
    %select_n3A_288 = arith.select %eq3A_283, %broadcast_in_dim3A_286, %broadcast_in_dim3A_287 : vector<512x1024xi1>, vector<512x1024xf32>
    %reduce_min3A_289 = arith.constant dense<0x7F800000> : vector<1024xf32>
    %reduce_min3A_290 = vector.multi_reduction <minimumf>, %select_n3A_288, %reduce_min3A_289 [0] : vector<512x1024xf32> to vector<1024xf32>
    %broadcast_in_dim3A_291 = vector.shape_cast %reduce_min3A_290 : vector<1024xf32> to vector<1x1024xf32>
    %lt3A_292 = arith.cmpf olt, %select_n3A_261, %broadcast_in_dim3A_278 : vector<1x1024xf32>
    %eq3A_293 = arith.cmpf oeq, %select_n3A_261, %broadcast_in_dim3A_278 : vector<1x1024xf32>
    %le3A_294 = arith.cmpf ole, %select_n3A_262, %broadcast_in_dim3A_291 : vector<1x1024xf32>
    %and3A_295 = arith.andi %eq3A_293, %le3A_294 : vector<1x1024xi1>
    %or3A_296 = arith.ori %lt3A_292, %and3A_295 : vector<1x1024xi1>
    %select_n3A_297 = arith.select %or3A_296, %select_n3A_261, %broadcast_in_dim3A_278 : vector<1x1024xi1>, vector<1x1024xf32>
    %select_n3A_298 = arith.select %or3A_296, %select_n3A_262, %broadcast_in_dim3A_291 : vector<1x1024xi1>, vector<1x1024xf32>
    %le3A_299 = arith.cmpf ole, %convert_element_type3A_161, %select_n3A_297 : vector<1x1024xf32>
    %select_n3A_300 = arith.select %le3A_299, %select_n3A_159, %select_n3A_298 : vector<1x1024xi1>, vector<1x1024xf32>
    %select_n3A_301 = arith.select %le3A_299, %convert_element_type3A_161, %select_n3A_297 : vector<1x1024xi1>, vector<1x1024xf32>
    %convert_element_type3A_302 = arith.truncf %select_n3A_301 : vector<1x1024xf32> to vector<1x1024xbf16>
    %convert_element_type3A_303 = arith.extf %convert_element_type3A_302 : vector<1x1024xbf16> to vector<1x1024xf32>
    %get3A_304 = arith.constant 4096 : index
    %get3A_305 = arith.constant 0 : index
    %get3A_306 = vector.load %arg5[%get3A_304, %get3A_305] : memref<8192x64xf32, #tpu.memory_space<vmem>>, vector<512x64xf32>
    %mul3A_307 = arith.mulf %get3A_306, %get3A_306 : vector<512x64xf32>
    %reduce_sum3A_308 = arith.constant dense<0.000000e+00> : vector<512xf32>
    %reduce_sum3A_309 = vector.multi_reduction <add>, %mul3A_307, %reduce_sum3A_308 [1] : vector<512x64xf32> to vector<512xf32>
    %broadcast_in_dim3A_310 = vector.shape_cast %reduce_sum3A_309 : vector<512xf32> to vector<512x1xf32>
    %dot_general3A_311 = arith.constant dense<0.000000e+00> : vector<512x1024xf32>
    %dot_general3A_312 = tpu.matmul %get3A_306, %convert_element_type3A, %dot_general3A_311 {dimension_numbers = #tpu.dot_dimension_numbers<[1], [0], [0], [1], [0, 0, 1, 1], [], []>, transpose_lhs_hint = false} : vector<512x64xf32>, vector<64x1024xbf16>, vector<512x1024xf32> -> vector<512x1024xf32>
    %sub3A_313 = vector.broadcast %broadcast_in_dim3A_30 : vector<1x1024xf32> to vector<512x1024xf32>
    %sub3A_314 = arith.subf %sub3A_313, %dot_general3A_312 : vector<512x1024xf32>
    %add3A_315 = vector.broadcast %broadcast_in_dim3A_310 : vector<512x1xf32> to vector<512x1024xf32>
    %add3A_316 = arith.addf %sub3A_314, %add3A_315 : vector<512x1024xf32>
    %reduce_min3A_317 = arith.constant dense<0x7F800000> : vector<1024xf32>
    %reduce_min3A_318 = vector.multi_reduction <minimumf>, %add3A_316, %reduce_min3A_317 [0] : vector<512x1024xf32> to vector<1024xf32>
    %broadcast_in_dim3A_319 = vector.shape_cast %reduce_min3A_318 : vector<1024xf32> to vector<1x1024xf32>
    %add3A_320 = arith.constant 4.096000e+03 : f32
    %add3A_321 = vector.broadcast %add3A_320 : f32 to vector<512x1xf32>
    %add3A_322 = arith.addf %convert_element_type3A_31, %add3A_321 : vector<512x1xf32>
    %eq3A_323 = vector.broadcast %broadcast_in_dim3A_319 : vector<1x1024xf32> to vector<512x1024xf32>
    %eq3A_324 = arith.cmpf oeq, %add3A_316, %eq3A_323 : vector<512x1024xf32>
    %jit3A_325 = arith.constant 3.000000e+38 : f32
    %broadcast_in_dim3A_326 = vector.shape_cast %add3A_322 : vector<512x1xf32> to vector<512x1xf32>
    %broadcast_in_dim3A_327 = vector.broadcast %broadcast_in_dim3A_326 : vector<512x1xf32> to vector<512x1024xf32>
    %broadcast_in_dim3A_328 = vector.broadcast %jit3A_325 : f32 to vector<512x1024xf32>
    %select_n3A_329 = arith.select %eq3A_324, %broadcast_in_dim3A_327, %broadcast_in_dim3A_328 : vector<512x1024xi1>, vector<512x1024xf32>
    %reduce_min3A_330 = arith.constant dense<0x7F800000> : vector<1024xf32>
    %reduce_min3A_331 = vector.multi_reduction <minimumf>, %select_n3A_329, %reduce_min3A_330 [0] : vector<512x1024xf32> to vector<1024xf32>
    %broadcast_in_dim3A_332 = vector.shape_cast %reduce_min3A_331 : vector<1024xf32> to vector<1x1024xf32>
    %get3A_333 = arith.constant 4608 : index
    %get3A_334 = arith.constant 0 : index
    %get3A_335 = vector.load %arg5[%get3A_333, %get3A_334] : memref<8192x64xf32, #tpu.memory_space<vmem>>, vector<512x64xf32>
    %mul3A_336 = arith.mulf %get3A_335, %get3A_335 : vector<512x64xf32>
    %reduce_sum3A_337 = arith.constant dense<0.000000e+00> : vector<512xf32>
    %reduce_sum3A_338 = vector.multi_reduction <add>, %mul3A_336, %reduce_sum3A_337 [1] : vector<512x64xf32> to vector<512xf32>
    %broadcast_in_dim3A_339 = vector.shape_cast %reduce_sum3A_338 : vector<512xf32> to vector<512x1xf32>
    %dot_general3A_340 = arith.constant dense<0.000000e+00> : vector<512x1024xf32>
    %dot_general3A_341 = tpu.matmul %get3A_335, %convert_element_type3A, %dot_general3A_340 {dimension_numbers = #tpu.dot_dimension_numbers<[1], [0], [0], [1], [0, 0, 1, 1], [], []>, transpose_lhs_hint = false} : vector<512x64xf32>, vector<64x1024xbf16>, vector<512x1024xf32> -> vector<512x1024xf32>
    %sub3A_342 = vector.broadcast %broadcast_in_dim3A_30 : vector<1x1024xf32> to vector<512x1024xf32>
    %sub3A_343 = arith.subf %sub3A_342, %dot_general3A_341 : vector<512x1024xf32>
    %add3A_344 = vector.broadcast %broadcast_in_dim3A_339 : vector<512x1xf32> to vector<512x1024xf32>
    %add3A_345 = arith.addf %sub3A_343, %add3A_344 : vector<512x1024xf32>
    %reduce_min3A_346 = arith.constant dense<0x7F800000> : vector<1024xf32>
    %reduce_min3A_347 = vector.multi_reduction <minimumf>, %add3A_345, %reduce_min3A_346 [0] : vector<512x1024xf32> to vector<1024xf32>
    %broadcast_in_dim3A_348 = vector.shape_cast %reduce_min3A_347 : vector<1024xf32> to vector<1x1024xf32>
    %add3A_349 = arith.constant 4.608000e+03 : f32
    %add3A_350 = vector.broadcast %add3A_349 : f32 to vector<512x1xf32>
    %add3A_351 = arith.addf %convert_element_type3A_31, %add3A_350 : vector<512x1xf32>
    %eq3A_352 = vector.broadcast %broadcast_in_dim3A_348 : vector<1x1024xf32> to vector<512x1024xf32>
    %eq3A_353 = arith.cmpf oeq, %add3A_345, %eq3A_352 : vector<512x1024xf32>
    %jit3A_354 = arith.constant 3.000000e+38 : f32
    %broadcast_in_dim3A_355 = vector.shape_cast %add3A_351 : vector<512x1xf32> to vector<512x1xf32>
    %broadcast_in_dim3A_356 = vector.broadcast %broadcast_in_dim3A_355 : vector<512x1xf32> to vector<512x1024xf32>
    %broadcast_in_dim3A_357 = vector.broadcast %jit3A_354 : f32 to vector<512x1024xf32>
    %select_n3A_358 = arith.select %eq3A_353, %broadcast_in_dim3A_356, %broadcast_in_dim3A_357 : vector<512x1024xi1>, vector<512x1024xf32>
    %reduce_min3A_359 = arith.constant dense<0x7F800000> : vector<1024xf32>
    %reduce_min3A_360 = vector.multi_reduction <minimumf>, %select_n3A_358, %reduce_min3A_359 [0] : vector<512x1024xf32> to vector<1024xf32>
    %broadcast_in_dim3A_361 = vector.shape_cast %reduce_min3A_360 : vector<1024xf32> to vector<1x1024xf32>
    %lt3A_362 = arith.cmpf olt, %broadcast_in_dim3A_319, %broadcast_in_dim3A_348 : vector<1x1024xf32>
    %eq3A_363 = arith.cmpf oeq, %broadcast_in_dim3A_319, %broadcast_in_dim3A_348 : vector<1x1024xf32>
    %le3A_364 = arith.cmpf ole, %broadcast_in_dim3A_332, %broadcast_in_dim3A_361 : vector<1x1024xf32>
    %and3A_365 = arith.andi %eq3A_363, %le3A_364 : vector<1x1024xi1>
    %or3A_366 = arith.ori %lt3A_362, %and3A_365 : vector<1x1024xi1>
    %select_n3A_367 = arith.select %or3A_366, %broadcast_in_dim3A_319, %broadcast_in_dim3A_348 : vector<1x1024xi1>, vector<1x1024xf32>
    %select_n3A_368 = arith.select %or3A_366, %broadcast_in_dim3A_332, %broadcast_in_dim3A_361 : vector<1x1024xi1>, vector<1x1024xf32>
    %get3A_369 = arith.constant 5120 : index
    %get3A_370 = arith.constant 0 : index
    %get3A_371 = vector.load %arg5[%get3A_369, %get3A_370] : memref<8192x64xf32, #tpu.memory_space<vmem>>, vector<512x64xf32>
    %mul3A_372 = arith.mulf %get3A_371, %get3A_371 : vector<512x64xf32>
    %reduce_sum3A_373 = arith.constant dense<0.000000e+00> : vector<512xf32>
    %reduce_sum3A_374 = vector.multi_reduction <add>, %mul3A_372, %reduce_sum3A_373 [1] : vector<512x64xf32> to vector<512xf32>
    %broadcast_in_dim3A_375 = vector.shape_cast %reduce_sum3A_374 : vector<512xf32> to vector<512x1xf32>
    %dot_general3A_376 = arith.constant dense<0.000000e+00> : vector<512x1024xf32>
    %dot_general3A_377 = tpu.matmul %get3A_371, %convert_element_type3A, %dot_general3A_376 {dimension_numbers = #tpu.dot_dimension_numbers<[1], [0], [0], [1], [0, 0, 1, 1], [], []>, transpose_lhs_hint = false} : vector<512x64xf32>, vector<64x1024xbf16>, vector<512x1024xf32> -> vector<512x1024xf32>
    %sub3A_378 = vector.broadcast %broadcast_in_dim3A_30 : vector<1x1024xf32> to vector<512x1024xf32>
    %sub3A_379 = arith.subf %sub3A_378, %dot_general3A_377 : vector<512x1024xf32>
    %add3A_380 = vector.broadcast %broadcast_in_dim3A_375 : vector<512x1xf32> to vector<512x1024xf32>
    %add3A_381 = arith.addf %sub3A_379, %add3A_380 : vector<512x1024xf32>
    %reduce_min3A_382 = arith.constant dense<0x7F800000> : vector<1024xf32>
    %reduce_min3A_383 = vector.multi_reduction <minimumf>, %add3A_381, %reduce_min3A_382 [0] : vector<512x1024xf32> to vector<1024xf32>
    %broadcast_in_dim3A_384 = vector.shape_cast %reduce_min3A_383 : vector<1024xf32> to vector<1x1024xf32>
    %add3A_385 = arith.constant 5.120000e+03 : f32
    %add3A_386 = vector.broadcast %add3A_385 : f32 to vector<512x1xf32>
    %add3A_387 = arith.addf %convert_element_type3A_31, %add3A_386 : vector<512x1xf32>
    %eq3A_388 = vector.broadcast %broadcast_in_dim3A_384 : vector<1x1024xf32> to vector<512x1024xf32>
    %eq3A_389 = arith.cmpf oeq, %add3A_381, %eq3A_388 : vector<512x1024xf32>
    %jit3A_390 = arith.constant 3.000000e+38 : f32
    %broadcast_in_dim3A_391 = vector.shape_cast %add3A_387 : vector<512x1xf32> to vector<512x1xf32>
    %broadcast_in_dim3A_392 = vector.broadcast %broadcast_in_dim3A_391 : vector<512x1xf32> to vector<512x1024xf32>
    %broadcast_in_dim3A_393 = vector.broadcast %jit3A_390 : f32 to vector<512x1024xf32>
    %select_n3A_394 = arith.select %eq3A_389, %broadcast_in_dim3A_392, %broadcast_in_dim3A_393 : vector<512x1024xi1>, vector<512x1024xf32>
    %reduce_min3A_395 = arith.constant dense<0x7F800000> : vector<1024xf32>
    %reduce_min3A_396 = vector.multi_reduction <minimumf>, %select_n3A_394, %reduce_min3A_395 [0] : vector<512x1024xf32> to vector<1024xf32>
    %broadcast_in_dim3A_397 = vector.shape_cast %reduce_min3A_396 : vector<1024xf32> to vector<1x1024xf32>
    %lt3A_398 = arith.cmpf olt, %select_n3A_367, %broadcast_in_dim3A_384 : vector<1x1024xf32>
    %eq3A_399 = arith.cmpf oeq, %select_n3A_367, %broadcast_in_dim3A_384 : vector<1x1024xf32>
    %le3A_400 = arith.cmpf ole, %select_n3A_368, %broadcast_in_dim3A_397 : vector<1x1024xf32>
    %and3A_401 = arith.andi %eq3A_399, %le3A_400 : vector<1x1024xi1>
    %or3A_402 = arith.ori %lt3A_398, %and3A_401 : vector<1x1024xi1>
    %select_n3A_403 = arith.select %or3A_402, %select_n3A_367, %broadcast_in_dim3A_384 : vector<1x1024xi1>, vector<1x1024xf32>
    %select_n3A_404 = arith.select %or3A_402, %select_n3A_368, %broadcast_in_dim3A_397 : vector<1x1024xi1>, vector<1x1024xf32>
    %get3A_405 = arith.constant 5632 : index
    %get3A_406 = arith.constant 0 : index
    %get3A_407 = vector.load %arg5[%get3A_405, %get3A_406] : memref<8192x64xf32, #tpu.memory_space<vmem>>, vector<512x64xf32>
    %mul3A_408 = arith.mulf %get3A_407, %get3A_407 : vector<512x64xf32>
    %reduce_sum3A_409 = arith.constant dense<0.000000e+00> : vector<512xf32>
    %reduce_sum3A_410 = vector.multi_reduction <add>, %mul3A_408, %reduce_sum3A_409 [1] : vector<512x64xf32> to vector<512xf32>
    %broadcast_in_dim3A_411 = vector.shape_cast %reduce_sum3A_410 : vector<512xf32> to vector<512x1xf32>
    %dot_general3A_412 = arith.constant dense<0.000000e+00> : vector<512x1024xf32>
    %dot_general3A_413 = tpu.matmul %get3A_407, %convert_element_type3A, %dot_general3A_412 {dimension_numbers = #tpu.dot_dimension_numbers<[1], [0], [0], [1], [0, 0, 1, 1], [], []>, transpose_lhs_hint = false} : vector<512x64xf32>, vector<64x1024xbf16>, vector<512x1024xf32> -> vector<512x1024xf32>
    %sub3A_414 = vector.broadcast %broadcast_in_dim3A_30 : vector<1x1024xf32> to vector<512x1024xf32>
    %sub3A_415 = arith.subf %sub3A_414, %dot_general3A_413 : vector<512x1024xf32>
    %add3A_416 = vector.broadcast %broadcast_in_dim3A_411 : vector<512x1xf32> to vector<512x1024xf32>
    %add3A_417 = arith.addf %sub3A_415, %add3A_416 : vector<512x1024xf32>
    %reduce_min3A_418 = arith.constant dense<0x7F800000> : vector<1024xf32>
    %reduce_min3A_419 = vector.multi_reduction <minimumf>, %add3A_417, %reduce_min3A_418 [0] : vector<512x1024xf32> to vector<1024xf32>
    %broadcast_in_dim3A_420 = vector.shape_cast %reduce_min3A_419 : vector<1024xf32> to vector<1x1024xf32>
    %add3A_421 = arith.constant 5.632000e+03 : f32
    %add3A_422 = vector.broadcast %add3A_421 : f32 to vector<512x1xf32>
    %add3A_423 = arith.addf %convert_element_type3A_31, %add3A_422 : vector<512x1xf32>
    %eq3A_424 = vector.broadcast %broadcast_in_dim3A_420 : vector<1x1024xf32> to vector<512x1024xf32>
    %eq3A_425 = arith.cmpf oeq, %add3A_417, %eq3A_424 : vector<512x1024xf32>
    %jit3A_426 = arith.constant 3.000000e+38 : f32
    %broadcast_in_dim3A_427 = vector.shape_cast %add3A_423 : vector<512x1xf32> to vector<512x1xf32>
    %broadcast_in_dim3A_428 = vector.broadcast %broadcast_in_dim3A_427 : vector<512x1xf32> to vector<512x1024xf32>
    %broadcast_in_dim3A_429 = vector.broadcast %jit3A_426 : f32 to vector<512x1024xf32>
    %select_n3A_430 = arith.select %eq3A_425, %broadcast_in_dim3A_428, %broadcast_in_dim3A_429 : vector<512x1024xi1>, vector<512x1024xf32>
    %reduce_min3A_431 = arith.constant dense<0x7F800000> : vector<1024xf32>
    %reduce_min3A_432 = vector.multi_reduction <minimumf>, %select_n3A_430, %reduce_min3A_431 [0] : vector<512x1024xf32> to vector<1024xf32>
    %broadcast_in_dim3A_433 = vector.shape_cast %reduce_min3A_432 : vector<1024xf32> to vector<1x1024xf32>
    %lt3A_434 = arith.cmpf olt, %select_n3A_403, %broadcast_in_dim3A_420 : vector<1x1024xf32>
    %eq3A_435 = arith.cmpf oeq, %select_n3A_403, %broadcast_in_dim3A_420 : vector<1x1024xf32>
    %le3A_436 = arith.cmpf ole, %select_n3A_404, %broadcast_in_dim3A_433 : vector<1x1024xf32>
    %and3A_437 = arith.andi %eq3A_435, %le3A_436 : vector<1x1024xi1>
    %or3A_438 = arith.ori %lt3A_434, %and3A_437 : vector<1x1024xi1>
    %select_n3A_439 = arith.select %or3A_438, %select_n3A_403, %broadcast_in_dim3A_420 : vector<1x1024xi1>, vector<1x1024xf32>
    %select_n3A_440 = arith.select %or3A_438, %select_n3A_404, %broadcast_in_dim3A_433 : vector<1x1024xi1>, vector<1x1024xf32>
    %le3A_441 = arith.cmpf ole, %convert_element_type3A_303, %select_n3A_439 : vector<1x1024xf32>
    %select_n3A_442 = arith.select %le3A_441, %select_n3A_300, %select_n3A_440 : vector<1x1024xi1>, vector<1x1024xf32>
    %select_n3A_443 = arith.select %le3A_441, %convert_element_type3A_303, %select_n3A_439 : vector<1x1024xi1>, vector<1x1024xf32>
    %convert_element_type3A_444 = arith.truncf %select_n3A_443 : vector<1x1024xf32> to vector<1x1024xbf16>
    %convert_element_type3A_445 = arith.extf %convert_element_type3A_444 : vector<1x1024xbf16> to vector<1x1024xf32>
    %get3A_446 = arith.constant 6144 : index
    %get3A_447 = arith.constant 0 : index
    %get3A_448 = vector.load %arg5[%get3A_446, %get3A_447] : memref<8192x64xf32, #tpu.memory_space<vmem>>, vector<512x64xf32>
    %mul3A_449 = arith.mulf %get3A_448, %get3A_448 : vector<512x64xf32>
    %reduce_sum3A_450 = arith.constant dense<0.000000e+00> : vector<512xf32>
    %reduce_sum3A_451 = vector.multi_reduction <add>, %mul3A_449, %reduce_sum3A_450 [1] : vector<512x64xf32> to vector<512xf32>
    %broadcast_in_dim3A_452 = vector.shape_cast %reduce_sum3A_451 : vector<512xf32> to vector<512x1xf32>
    %dot_general3A_453 = arith.constant dense<0.000000e+00> : vector<512x1024xf32>
    %dot_general3A_454 = tpu.matmul %get3A_448, %convert_element_type3A, %dot_general3A_453 {dimension_numbers = #tpu.dot_dimension_numbers<[1], [0], [0], [1], [0, 0, 1, 1], [], []>, transpose_lhs_hint = false} : vector<512x64xf32>, vector<64x1024xbf16>, vector<512x1024xf32> -> vector<512x1024xf32>
    %sub3A_455 = vector.broadcast %broadcast_in_dim3A_30 : vector<1x1024xf32> to vector<512x1024xf32>
    %sub3A_456 = arith.subf %sub3A_455, %dot_general3A_454 : vector<512x1024xf32>
    %add3A_457 = vector.broadcast %broadcast_in_dim3A_452 : vector<512x1xf32> to vector<512x1024xf32>
    %add3A_458 = arith.addf %sub3A_456, %add3A_457 : vector<512x1024xf32>
    %reduce_min3A_459 = arith.constant dense<0x7F800000> : vector<1024xf32>
    %reduce_min3A_460 = vector.multi_reduction <minimumf>, %add3A_458, %reduce_min3A_459 [0] : vector<512x1024xf32> to vector<1024xf32>
    %broadcast_in_dim3A_461 = vector.shape_cast %reduce_min3A_460 : vector<1024xf32> to vector<1x1024xf32>
    %add3A_462 = arith.constant 6.144000e+03 : f32
    %add3A_463 = vector.broadcast %add3A_462 : f32 to vector<512x1xf32>
    %add3A_464 = arith.addf %convert_element_type3A_31, %add3A_463 : vector<512x1xf32>
    %eq3A_465 = vector.broadcast %broadcast_in_dim3A_461 : vector<1x1024xf32> to vector<512x1024xf32>
    %eq3A_466 = arith.cmpf oeq, %add3A_458, %eq3A_465 : vector<512x1024xf32>
    %jit3A_467 = arith.constant 3.000000e+38 : f32
    %broadcast_in_dim3A_468 = vector.shape_cast %add3A_464 : vector<512x1xf32> to vector<512x1xf32>
    %broadcast_in_dim3A_469 = vector.broadcast %broadcast_in_dim3A_468 : vector<512x1xf32> to vector<512x1024xf32>
    %broadcast_in_dim3A_470 = vector.broadcast %jit3A_467 : f32 to vector<512x1024xf32>
    %select_n3A_471 = arith.select %eq3A_466, %broadcast_in_dim3A_469, %broadcast_in_dim3A_470 : vector<512x1024xi1>, vector<512x1024xf32>
    %reduce_min3A_472 = arith.constant dense<0x7F800000> : vector<1024xf32>
    %reduce_min3A_473 = vector.multi_reduction <minimumf>, %select_n3A_471, %reduce_min3A_472 [0] : vector<512x1024xf32> to vector<1024xf32>
    %broadcast_in_dim3A_474 = vector.shape_cast %reduce_min3A_473 : vector<1024xf32> to vector<1x1024xf32>
    %get3A_475 = arith.constant 6656 : index
    %get3A_476 = arith.constant 0 : index
    %get3A_477 = vector.load %arg5[%get3A_475, %get3A_476] : memref<8192x64xf32, #tpu.memory_space<vmem>>, vector<512x64xf32>
    %mul3A_478 = arith.mulf %get3A_477, %get3A_477 : vector<512x64xf32>
    %reduce_sum3A_479 = arith.constant dense<0.000000e+00> : vector<512xf32>
    %reduce_sum3A_480 = vector.multi_reduction <add>, %mul3A_478, %reduce_sum3A_479 [1] : vector<512x64xf32> to vector<512xf32>
    %broadcast_in_dim3A_481 = vector.shape_cast %reduce_sum3A_480 : vector<512xf32> to vector<512x1xf32>
    %dot_general3A_482 = arith.constant dense<0.000000e+00> : vector<512x1024xf32>
    %dot_general3A_483 = tpu.matmul %get3A_477, %convert_element_type3A, %dot_general3A_482 {dimension_numbers = #tpu.dot_dimension_numbers<[1], [0], [0], [1], [0, 0, 1, 1], [], []>, transpose_lhs_hint = false} : vector<512x64xf32>, vector<64x1024xbf16>, vector<512x1024xf32> -> vector<512x1024xf32>
    %sub3A_484 = vector.broadcast %broadcast_in_dim3A_30 : vector<1x1024xf32> to vector<512x1024xf32>
    %sub3A_485 = arith.subf %sub3A_484, %dot_general3A_483 : vector<512x1024xf32>
    %add3A_486 = vector.broadcast %broadcast_in_dim3A_481 : vector<512x1xf32> to vector<512x1024xf32>
    %add3A_487 = arith.addf %sub3A_485, %add3A_486 : vector<512x1024xf32>
    %reduce_min3A_488 = arith.constant dense<0x7F800000> : vector<1024xf32>
    %reduce_min3A_489 = vector.multi_reduction <minimumf>, %add3A_487, %reduce_min3A_488 [0] : vector<512x1024xf32> to vector<1024xf32>
    %broadcast_in_dim3A_490 = vector.shape_cast %reduce_min3A_489 : vector<1024xf32> to vector<1x1024xf32>
    %add3A_491 = arith.constant 6.656000e+03 : f32
    %add3A_492 = vector.broadcast %add3A_491 : f32 to vector<512x1xf32>
    %add3A_493 = arith.addf %convert_element_type3A_31, %add3A_492 : vector<512x1xf32>
    %eq3A_494 = vector.broadcast %broadcast_in_dim3A_490 : vector<1x1024xf32> to vector<512x1024xf32>
    %eq3A_495 = arith.cmpf oeq, %add3A_487, %eq3A_494 : vector<512x1024xf32>
    %jit3A_496 = arith.constant 3.000000e+38 : f32
    %broadcast_in_dim3A_497 = vector.shape_cast %add3A_493 : vector<512x1xf32> to vector<512x1xf32>
    %broadcast_in_dim3A_498 = vector.broadcast %broadcast_in_dim3A_497 : vector<512x1xf32> to vector<512x1024xf32>
    %broadcast_in_dim3A_499 = vector.broadcast %jit3A_496 : f32 to vector<512x1024xf32>
    %select_n3A_500 = arith.select %eq3A_495, %broadcast_in_dim3A_498, %broadcast_in_dim3A_499 : vector<512x1024xi1>, vector<512x1024xf32>
    %reduce_min3A_501 = arith.constant dense<0x7F800000> : vector<1024xf32>
    %reduce_min3A_502 = vector.multi_reduction <minimumf>, %select_n3A_500, %reduce_min3A_501 [0] : vector<512x1024xf32> to vector<1024xf32>
    %broadcast_in_dim3A_503 = vector.shape_cast %reduce_min3A_502 : vector<1024xf32> to vector<1x1024xf32>
    %lt3A_504 = arith.cmpf olt, %broadcast_in_dim3A_461, %broadcast_in_dim3A_490 : vector<1x1024xf32>
    %eq3A_505 = arith.cmpf oeq, %broadcast_in_dim3A_461, %broadcast_in_dim3A_490 : vector<1x1024xf32>
    %le3A_506 = arith.cmpf ole, %broadcast_in_dim3A_474, %broadcast_in_dim3A_503 : vector<1x1024xf32>
    %and3A_507 = arith.andi %eq3A_505, %le3A_506 : vector<1x1024xi1>
    %or3A_508 = arith.ori %lt3A_504, %and3A_507 : vector<1x1024xi1>
    %select_n3A_509 = arith.select %or3A_508, %broadcast_in_dim3A_461, %broadcast_in_dim3A_490 : vector<1x1024xi1>, vector<1x1024xf32>
    %select_n3A_510 = arith.select %or3A_508, %broadcast_in_dim3A_474, %broadcast_in_dim3A_503 : vector<1x1024xi1>, vector<1x1024xf32>
    %get3A_511 = arith.constant 7168 : index
    %get3A_512 = arith.constant 0 : index
    %get3A_513 = vector.load %arg5[%get3A_511, %get3A_512] : memref<8192x64xf32, #tpu.memory_space<vmem>>, vector<512x64xf32>
    %mul3A_514 = arith.mulf %get3A_513, %get3A_513 : vector<512x64xf32>
    %reduce_sum3A_515 = arith.constant dense<0.000000e+00> : vector<512xf32>
    %reduce_sum3A_516 = vector.multi_reduction <add>, %mul3A_514, %reduce_sum3A_515 [1] : vector<512x64xf32> to vector<512xf32>
    %broadcast_in_dim3A_517 = vector.shape_cast %reduce_sum3A_516 : vector<512xf32> to vector<512x1xf32>
    %dot_general3A_518 = arith.constant dense<0.000000e+00> : vector<512x1024xf32>
    %dot_general3A_519 = tpu.matmul %get3A_513, %convert_element_type3A, %dot_general3A_518 {dimension_numbers = #tpu.dot_dimension_numbers<[1], [0], [0], [1], [0, 0, 1, 1], [], []>, transpose_lhs_hint = false} : vector<512x64xf32>, vector<64x1024xbf16>, vector<512x1024xf32> -> vector<512x1024xf32>
    %sub3A_520 = vector.broadcast %broadcast_in_dim3A_30 : vector<1x1024xf32> to vector<512x1024xf32>
    %sub3A_521 = arith.subf %sub3A_520, %dot_general3A_519 : vector<512x1024xf32>
    %add3A_522 = vector.broadcast %broadcast_in_dim3A_517 : vector<512x1xf32> to vector<512x1024xf32>
    %add3A_523 = arith.addf %sub3A_521, %add3A_522 : vector<512x1024xf32>
    %reduce_min3A_524 = arith.constant dense<0x7F800000> : vector<1024xf32>
    %reduce_min3A_525 = vector.multi_reduction <minimumf>, %add3A_523, %reduce_min3A_524 [0] : vector<512x1024xf32> to vector<1024xf32>
    %broadcast_in_dim3A_526 = vector.shape_cast %reduce_min3A_525 : vector<1024xf32> to vector<1x1024xf32>
    %add3A_527 = arith.constant 7.168000e+03 : f32
    %add3A_528 = vector.broadcast %add3A_527 : f32 to vector<512x1xf32>
    %add3A_529 = arith.addf %convert_element_type3A_31, %add3A_528 : vector<512x1xf32>
    %eq3A_530 = vector.broadcast %broadcast_in_dim3A_526 : vector<1x1024xf32> to vector<512x1024xf32>
    %eq3A_531 = arith.cmpf oeq, %add3A_523, %eq3A_530 : vector<512x1024xf32>
    %jit3A_532 = arith.constant 3.000000e+38 : f32
    %broadcast_in_dim3A_533 = vector.shape_cast %add3A_529 : vector<512x1xf32> to vector<512x1xf32>
    %broadcast_in_dim3A_534 = vector.broadcast %broadcast_in_dim3A_533 : vector<512x1xf32> to vector<512x1024xf32>
    %broadcast_in_dim3A_535 = vector.broadcast %jit3A_532 : f32 to vector<512x1024xf32>
    %select_n3A_536 = arith.select %eq3A_531, %broadcast_in_dim3A_534, %broadcast_in_dim3A_535 : vector<512x1024xi1>, vector<512x1024xf32>
    %reduce_min3A_537 = arith.constant dense<0x7F800000> : vector<1024xf32>
    %reduce_min3A_538 = vector.multi_reduction <minimumf>, %select_n3A_536, %reduce_min3A_537 [0] : vector<512x1024xf32> to vector<1024xf32>
    %broadcast_in_dim3A_539 = vector.shape_cast %reduce_min3A_538 : vector<1024xf32> to vector<1x1024xf32>
    %lt3A_540 = arith.cmpf olt, %select_n3A_509, %broadcast_in_dim3A_526 : vector<1x1024xf32>
    %eq3A_541 = arith.cmpf oeq, %select_n3A_509, %broadcast_in_dim3A_526 : vector<1x1024xf32>
    %le3A_542 = arith.cmpf ole, %select_n3A_510, %broadcast_in_dim3A_539 : vector<1x1024xf32>
    %and3A_543 = arith.andi %eq3A_541, %le3A_542 : vector<1x1024xi1>
    %or3A_544 = arith.ori %lt3A_540, %and3A_543 : vector<1x1024xi1>
    %select_n3A_545 = arith.select %or3A_544, %select_n3A_509, %broadcast_in_dim3A_526 : vector<1x1024xi1>, vector<1x1024xf32>
    %select_n3A_546 = arith.select %or3A_544, %select_n3A_510, %broadcast_in_dim3A_539 : vector<1x1024xi1>, vector<1x1024xf32>
    %get3A_547 = arith.constant 7680 : index
    %get3A_548 = arith.constant 0 : index
    %get3A_549 = vector.load %arg5[%get3A_547, %get3A_548] : memref<8192x64xf32, #tpu.memory_space<vmem>>, vector<512x64xf32>
    %mul3A_550 = arith.mulf %get3A_549, %get3A_549 : vector<512x64xf32>
    %reduce_sum3A_551 = arith.constant dense<0.000000e+00> : vector<512xf32>
    %reduce_sum3A_552 = vector.multi_reduction <add>, %mul3A_550, %reduce_sum3A_551 [1] : vector<512x64xf32> to vector<512xf32>
    %broadcast_in_dim3A_553 = vector.shape_cast %reduce_sum3A_552 : vector<512xf32> to vector<512x1xf32>
    %dot_general3A_554 = arith.constant dense<0.000000e+00> : vector<512x1024xf32>
    %dot_general3A_555 = tpu.matmul %get3A_549, %convert_element_type3A, %dot_general3A_554 {dimension_numbers = #tpu.dot_dimension_numbers<[1], [0], [0], [1], [0, 0, 1, 1], [], []>, transpose_lhs_hint = false} : vector<512x64xf32>, vector<64x1024xbf16>, vector<512x1024xf32> -> vector<512x1024xf32>
    %sub3A_556 = vector.broadcast %broadcast_in_dim3A_30 : vector<1x1024xf32> to vector<512x1024xf32>
    %sub3A_557 = arith.subf %sub3A_556, %dot_general3A_555 : vector<512x1024xf32>
    %add3A_558 = vector.broadcast %broadcast_in_dim3A_553 : vector<512x1xf32> to vector<512x1024xf32>
    %add3A_559 = arith.addf %sub3A_557, %add3A_558 : vector<512x1024xf32>
    %reduce_min3A_560 = arith.constant dense<0x7F800000> : vector<1024xf32>
    %reduce_min3A_561 = vector.multi_reduction <minimumf>, %add3A_559, %reduce_min3A_560 [0] : vector<512x1024xf32> to vector<1024xf32>
    %broadcast_in_dim3A_562 = vector.shape_cast %reduce_min3A_561 : vector<1024xf32> to vector<1x1024xf32>
    %add3A_563 = arith.constant 7.680000e+03 : f32
    %add3A_564 = vector.broadcast %add3A_563 : f32 to vector<512x1xf32>
    %add3A_565 = arith.addf %convert_element_type3A_31, %add3A_564 : vector<512x1xf32>
    %eq3A_566 = vector.broadcast %broadcast_in_dim3A_562 : vector<1x1024xf32> to vector<512x1024xf32>
    %eq3A_567 = arith.cmpf oeq, %add3A_559, %eq3A_566 : vector<512x1024xf32>
    %jit3A_568 = arith.constant 3.000000e+38 : f32
    %broadcast_in_dim3A_569 = vector.shape_cast %add3A_565 : vector<512x1xf32> to vector<512x1xf32>
    %broadcast_in_dim3A_570 = vector.broadcast %broadcast_in_dim3A_569 : vector<512x1xf32> to vector<512x1024xf32>
    %broadcast_in_dim3A_571 = vector.broadcast %jit3A_568 : f32 to vector<512x1024xf32>
    %select_n3A_572 = arith.select %eq3A_567, %broadcast_in_dim3A_570, %broadcast_in_dim3A_571 : vector<512x1024xi1>, vector<512x1024xf32>
    %reduce_min3A_573 = arith.constant dense<0x7F800000> : vector<1024xf32>
    %reduce_min3A_574 = vector.multi_reduction <minimumf>, %select_n3A_572, %reduce_min3A_573 [0] : vector<512x1024xf32> to vector<1024xf32>
    %broadcast_in_dim3A_575 = vector.shape_cast %reduce_min3A_574 : vector<1024xf32> to vector<1x1024xf32>
    %lt3A_576 = arith.cmpf olt, %select_n3A_545, %broadcast_in_dim3A_562 : vector<1x1024xf32>
    %eq3A_577 = arith.cmpf oeq, %select_n3A_545, %broadcast_in_dim3A_562 : vector<1x1024xf32>
    %le3A_578 = arith.cmpf ole, %select_n3A_546, %broadcast_in_dim3A_575 : vector<1x1024xf32>
    %and3A_579 = arith.andi %eq3A_577, %le3A_578 : vector<1x1024xi1>
    %or3A_580 = arith.ori %lt3A_576, %and3A_579 : vector<1x1024xi1>
    %select_n3A_581 = arith.select %or3A_580, %select_n3A_545, %broadcast_in_dim3A_562 : vector<1x1024xi1>, vector<1x1024xf32>
    %select_n3A_582 = arith.select %or3A_580, %select_n3A_546, %broadcast_in_dim3A_575 : vector<1x1024xi1>, vector<1x1024xf32>
    %le3A_583 = arith.cmpf ole, %convert_element_type3A_445, %select_n3A_581 : vector<1x1024xf32>
    %select_n3A_584 = arith.select %le3A_583, %select_n3A_442, %select_n3A_582 : vector<1x1024xi1>, vector<1x1024xf32>
    %convert_element_type3A_585 = arith.fptosi %select_n3A_584 : vector<1x1024xf32> to vector<1x1024xi32>
    %swap3A_586 = arith.constant 0 : index
    %swap3A_587 = arith.constant 0 : index
    %swap3A_588 = arith.constant 0 : index
    %swap3A_589 = vector.load %arg7[%swap3A_586, %swap3A_587, %swap3A_588] : memref<1x1x1024xi32, #tpu.memory_space<vmem>>, vector<1x1x1024xi32>
    %swap3A_590 = vector.shape_cast %swap3A_589 : vector<1x1x1024xi32> to vector<1x1024xi32>
    %swap3A_591 = vector.shape_cast %convert_element_type3A_585 : vector<1x1024xi32> to vector<1x1x1024xi32>
    tpu.vector_store %arg7[%swap3A_586, %swap3A_587, %swap3A_588], %swap3A_591 {strides = array<i32>} : memref<1x1x1024xi32, #tpu.memory_space<vmem>>, vector<1x1x1024xi32>,
    return
  }
  func.func @transform_0(%arg0: i32) -> (i32, i32, i32) {
    %add3A = arith.constant 4 : i32
    %add3A_0 = arith.addi %arg0, %add3A : i32
    %c0_i32 = arith.constant 0 : i32
    %c0_i32_1 = arith.constant 0 : i32
    %c0_i32_2 = arith.constant 0 : i32
    return %add3A_0, %c0_i32, %c0_i32_1 : i32, i32, i32
  }
  func.func @transform_1(%arg0: i32) -> (i32, i32) {
    %c0_i32 = arith.constant 0 : i32
    %c0_i32_0 = arith.constant 0 : i32
    %c0_i32_1 = arith.constant 0 : i32
    return %c0_i32, %c0_i32_0 : i32, i32
  }
  func.func @transform_2(%arg0: i32) -> (i32, i32) {
    %c0_i32 = arith.constant 0 : i32
    %c0_i32_0 = arith.constant 0 : i32
    %c0_i32_1 = arith.constant 0 : i32
    return %c0_i32, %c0_i32_0 : i32, i32
  }
  func.func @transform_3(%arg0: i32) -> (i32, i32) {
    %c0_i32 = arith.constant 0 : i32
    %c0_i32_0 = arith.constant 0 : i32
    %c0_i32_1 = arith.constant 0 : i32
    return %c0_i32, %c0_i32_0 : i32, i32
  }
  func.func @transform_4(%arg0: i32) -> (i32, i32) {
    %c0_i32 = arith.constant 0 : i32
    %c0_i32_0 = arith.constant 0 : i32
    %c0_i32_1 = arith.constant 0 : i32
    return %c0_i32, %c0_i32_0 : i32, i32
  }
  func.func @transform_5(%arg0: i32) -> (i32, i32, i32) {
    %c0_i32 = arith.constant 0 : i32
    %c0_i32_0 = arith.constant 0 : i32
    %c0_i32_1 = arith.constant 0 : i32
    return %arg0, %c0_i32, %c0_i32_0 : i32, i32, i32
  }
  func.func @transform_6(%arg0: i32) -> (i32, i32, i32) {
    %c0_i32 = arith.constant 0 : i32
    %c0_i32_0 = arith.constant 0 : i32
    %c0_i32_1 = arith.constant 0 : i32
    return %arg0, %c0_i32, %c0_i32_0 : i32, i32, i32
  }
}

module attributes {stable_mosaic.version = 14 : i64} {
  func.func @_decode_body(%arg0: i32, %arg1: memref<1x1024x128xf32, #tpu.memory_space<vmem>>, %arg2: memref<1x1024x128xf32, #tpu.memory_space<vmem>>, %arg3: memref<1x64x1024xf32, #tpu.memory_space<vmem>>, %arg4: memref<1x64x1024xf32, #tpu.memory_space<vmem>>, %arg5: memref<384x64xf32, #tpu.memory_space<vmem>>, %arg6: memref<384x1xf32, #tpu.memory_space<vmem>>, %arg7: memref<384x1xf32, #tpu.memory_space<vmem>>, %arg8: memref<1x384x1024xf32, #tpu.memory_space<vmem>>, %arg9: memref<1x1xf32, #tpu.memory_space<vmem>>) attributes {dimension_semantics = [#tpu.dimension_semantics<arbitrary>], iteration_bounds = array<i64: 8>, scalar_prefetch = 0 : i64, scratch_operands = 0 : i64, tpu.core_type = #tpu.core_type<tc>, window_params = [{transform_indices = @transform_0, window_bounds = array<i64: 1, 1024, 128>}, {transform_indices = @transform_1, window_bounds = array<i64: 1, 1024, 128>}, {transform_indices = @transform_2, window_bounds = array<i64: 1, 64, 1024>}, {transform_indices = @transform_3, window_bounds = array<i64: 1, 64, 1024>}, {pipeline_mode = #tpu.pipeline_mode<synchronous>, transform_indices = @transform_4, window_bounds = array<i64: 384, 64>}, {pipeline_mode = #tpu.pipeline_mode<synchronous>, transform_indices = @transform_5, window_bounds = array<i64: 384, 1>}, {pipeline_mode = #tpu.pipeline_mode<synchronous>, transform_indices = @transform_6, window_bounds = array<i64: 384, 1>}, {transform_indices = @transform_7, window_bounds = array<i64: 1, 384, 1024>}, {pipeline_mode = #tpu.pipeline_mode<synchronous>, transform_indices = @transform_8, window_bounds = array<i64: 1, 1>}]} {
    %lt3A = arith.constant 4 : i32
    %lt3A_0 = arith.cmpi slt, %arg0, %lt3A : i32
    %get3A = arith.constant 0 : index
    %get3A_1 = arith.constant 0 : index
    %get3A_2 = vector.load %arg5[%get3A, %get3A_1] : memref<384x64xf32, #tpu.memory_space<vmem>>, vector<384x64xf32>
    %mul3A = arith.mulf %get3A_2, %get3A_2 : vector<384x64xf32>
    %reduce_sum3A = arith.constant dense<0.000000e+00> : vector<384xf32>
    %reduce_sum3A_3 = vector.multi_reduction <add>, %mul3A, %reduce_sum3A [1] : vector<384x64xf32> to vector<384xf32>
    %broadcast_in_dim3A = vector.shape_cast %reduce_sum3A_3 : vector<384xf32> to vector<384x1xf32>
    %sqrt3A = math.sqrt %broadcast_in_dim3A : vector<384x1xf32>
    %get3A_4 = arith.constant 0 : index
    %get3A_5 = arith.constant 0 : index
    %get3A_6 = vector.load %arg6[%get3A_4, %get3A_5] : memref<384x1xf32, #tpu.memory_space<vmem>>, vector<384x1xf32>
    %mul3A_7 = vector.broadcast %get3A_6 : vector<384x1xf32> to vector<384x64xf32>
    %mul3A_8 = arith.mulf %mul3A_7, %get3A_2 : vector<384x64xf32>
    %div3A = vector.broadcast %sqrt3A : vector<384x1xf32> to vector<384x64xf32>
    %div3A_9 = arith.divf %mul3A_8, %div3A : vector<384x64xf32>
    %get3A_10 = arith.constant 0 : index
    %get3A_11 = arith.constant 0 : index
    %get3A_12 = arith.constant 0 : index
    %get3A_13 = vector.load %arg1[%get3A_10, %get3A_11, %get3A_12] : memref<1x1024x128xf32, #tpu.memory_space<vmem>>, vector<1x1024x128xf32>
    %get3A_14 = vector.shape_cast %get3A_13 : vector<1x1024x128xf32> to vector<1024x128xf32>
    %get3A_15 = arith.constant 0 : index
    %get3A_16 = arith.constant 0 : index
    %get3A_17 = arith.constant 0 : index
    %get3A_18 = vector.load %arg2[%get3A_15, %get3A_16, %get3A_17] : memref<1x1024x128xf32, #tpu.memory_space<vmem>>, vector<1x1024x128xf32>
    %get3A_19 = vector.shape_cast %get3A_18 : vector<1x1024x128xf32> to vector<1024x128xf32>
    %select_n3A = arith.select %lt3A_0, %get3A_14, %get3A_19 : vector<1024x128xf32>
    %slice3A = vector.extract_strided_slice %select_n3A {offsets = [0, 0], sizes = [1024, 64], strides = [1, 1]} : vector<1024x128xf32> to vector<1024x64xf32>
    %dot_general3A = arith.constant dense<0.000000e+00> : vector<384x1024xf32>
    %dot_general3A_20 = tpu.matmul %div3A_9, %slice3A, %dot_general3A {dimension_numbers = #tpu.dot_dimension_numbers<[1], [1], [0], [0], [0, 0, 1, 0], [], []>, transpose_lhs_hint = false} : vector<384x64xf32>, vector<1024x64xf32>, vector<384x1024xf32> -> vector<384x1024xf32>
    %get3A_21 = arith.constant 0 : index
    %get3A_22 = arith.constant 0 : index
    %get3A_23 = vector.load %arg7[%get3A_21, %get3A_22] : memref<384x1xf32, #tpu.memory_space<vmem>>, vector<384x1xf32>
    %add3A = vector.broadcast %get3A_23 : vector<384x1xf32> to vector<384x1024xf32>
    %add3A_24 = arith.addf %dot_general3A_20, %add3A : vector<384x1024xf32>
    %swap3A = arith.constant 0 : index
    %swap3A_25 = arith.constant 0 : index
    %swap3A_26 = arith.constant 0 : index
    %swap3A_27 = vector.load %arg8[%swap3A, %swap3A_25, %swap3A_26] : memref<1x384x1024xf32, #tpu.memory_space<vmem>>, vector<1x384x1024xf32>
    %swap3A_28 = vector.shape_cast %swap3A_27 : vector<1x384x1024xf32> to vector<384x1024xf32>
    %swap3A_29 = vector.shape_cast %add3A_24 : vector<384x1024xf32> to vector<1x384x1024xf32>
    tpu.vector_store %arg8[%swap3A, %swap3A_25, %swap3A_26], %swap3A_29 {strides = array<i32>} : memref<1x384x1024xf32, #tpu.memory_space<vmem>>, vector<1x384x1024xf32>,
    %get3A_30 = arith.constant 0 : index
    %get3A_31 = arith.constant 0 : index
    %get3A_32 = arith.constant 0 : index
    %get3A_33 = vector.load %arg3[%get3A_30, %get3A_31, %get3A_32] : memref<1x64x1024xf32, #tpu.memory_space<vmem>>, vector<1x64x1024xf32>
    %get3A_34 = vector.shape_cast %get3A_33 : vector<1x64x1024xf32> to vector<64x1024xf32>
    %get3A_35 = arith.constant 0 : index
    %get3A_36 = arith.constant 0 : index
    %get3A_37 = arith.constant 0 : index
    %get3A_38 = vector.load %arg4[%get3A_35, %get3A_36, %get3A_37] : memref<1x64x1024xf32, #tpu.memory_space<vmem>>, vector<1x64x1024xf32>
    %get3A_39 = vector.shape_cast %get3A_38 : vector<1x64x1024xf32> to vector<64x1024xf32>
    %select_n3A_40 = arith.select %lt3A_0, %get3A_34, %get3A_39 : vector<64x1024xf32>
    %dot_general3A_41 = arith.constant dense<0.000000e+00> : vector<64x64xf32>
    %dot_general3A_42 = tpu.matmul %select_n3A_40, %slice3A, %dot_general3A_41 {dimension_numbers = #tpu.dot_dimension_numbers<[1], [0], [0], [1], [0, 0, 1, 1], [], []>, transpose_lhs_hint = false} : vector<64x1024xf32>, vector<1024x64xf32>, vector<64x64xf32> -> vector<64x64xf32>
    %iota3A = tpu.iota {dimensions = array<i32: 0>} : vector<64x64xi32>
    %iota3A_43 = tpu.iota {dimensions = array<i32: 1>} : vector<64x64xi32>
    %eq3A = arith.cmpi eq, %iota3A, %iota3A_43 : vector<64x64xi32>
    %jit3A = arith.constant 0.000000e+00 : f32
    %broadcast_in_dim3A_44 = vector.broadcast %jit3A : f32 to vector<64x64xf32>
    %select_n3A_45 = arith.select %eq3A, %dot_general3A_42, %broadcast_in_dim3A_44 : vector<64x64xi1>, vector<64x64xf32>
    %reduce_sum3A_46 = vector.shape_cast %select_n3A_45 : vector<64x64xf32> to vector<1x64x64xf32>
    %reduce_sum3A_47 = arith.constant dense<0.000000e+00> : vector<1xf32>
    %reduce_sum3A_48 = vector.multi_reduction <add>, %reduce_sum3A_46, %reduce_sum3A_47 [1, 2] : vector<1x64x64xf32> to vector<1xf32>
    %reduce_sum3A_49 = vector.shape_cast %reduce_sum3A_48 : vector<1xf32> to vector<1x1x1xf32>
    %reduce_sum3A_50 = vector.extract %reduce_sum3A_49[0, 0, 0] : f32 from vector<1x1x1xf32>
    %mul3A_51 = arith.mulf %select_n3A_40, %select_n3A_40 : vector<64x1024xf32>
    %reduce_sum3A_52 = vector.shape_cast %mul3A_51 : vector<64x1024xf32> to vector<1x64x1024xf32>
    %reduce_sum3A_53 = arith.constant dense<0.000000e+00> : vector<1xf32>
    %reduce_sum3A_54 = vector.multi_reduction <add>, %reduce_sum3A_52, %reduce_sum3A_53 [1, 2] : vector<1x64x1024xf32> to vector<1xf32>
    %reduce_sum3A_55 = vector.shape_cast %reduce_sum3A_54 : vector<1xf32> to vector<1x1x1xf32>
    %reduce_sum3A_56 = vector.extract %reduce_sum3A_55[0, 0, 0] : f32 from vector<1x1x1xf32>
    %mul3A_57 = arith.mulf %slice3A, %slice3A : vector<1024x64xf32>
    %reduce_sum3A_58 = vector.shape_cast %mul3A_57 : vector<1024x64xf32> to vector<1x1024x64xf32>
    %reduce_sum3A_59 = arith.constant dense<0.000000e+00> : vector<1xf32>
    %reduce_sum3A_60 = vector.multi_reduction <add>, %reduce_sum3A_58, %reduce_sum3A_59 [1, 2] : vector<1x1024x64xf32> to vector<1xf32>
    %reduce_sum3A_61 = vector.shape_cast %reduce_sum3A_60 : vector<1xf32> to vector<1x1x1xf32>
    %reduce_sum3A_62 = vector.extract %reduce_sum3A_61[0, 0, 0] : f32 from vector<1x1x1xf32>
    %add3A_63 = arith.addf %reduce_sum3A_56, %reduce_sum3A_62 : f32
    %mul3A_64 = arith.constant 2.000000e+00 : f32
    %mul3A_65 = arith.mulf %mul3A_64, %reduce_sum3A_50 : f32
    %sub3A = arith.subf %add3A_63, %mul3A_65 : f32
    %eq3A_66 = arith.constant 0 : i32
    %eq3A_67 = arith.cmpi eq, %arg0, %eq3A_66 : i32
    %convert_element_type3A = arith.extui %eq3A_67 : i1 to i32
    %cond3A = arith.constant 0 : i32
    %cond3A_68 = arith.cmpi ne, %convert_element_type3A, %cond3A : i32
    scf.if %cond3A_68 {
      %broadcast_in_dim3A_81 = arith.constant 0.000000e+00 : f32
      %broadcast_in_dim3A_82 = vector.broadcast %broadcast_in_dim3A_81 : f32 to vector<1x1xf32>
      %swap3A_83 = arith.constant 0 : index
      %swap3A_84 = arith.constant 0 : index
      %swap3A_85 = vector.load %arg9[%swap3A_83, %swap3A_84] : memref<1x1xf32, #tpu.memory_space<vmem>>, vector<1x1xf32>
      tpu.vector_store %arg9[%swap3A_83, %swap3A_84], %broadcast_in_dim3A_82 {strides = array<i32>} : memref<1x1xf32, #tpu.memory_space<vmem>>, vector<1x1xf32>,
    } else {
    }
    %get3A_69 = arith.constant 0 : index
    %get3A_70 = arith.constant 0 : index
    %get3A_71 = vector.load %arg9[%get3A_69, %get3A_70] : memref<1x1xf32, #tpu.memory_space<vmem>>, vector<1x1xf32>
    %reshape3A = vector.broadcast %sub3A : f32 to vector<1x1xf32>
    %add3A_72 = arith.addf %get3A_71, %reshape3A : vector<1x1xf32>
    %swap3A_73 = arith.constant 0 : index
    %swap3A_74 = arith.constant 0 : index
    %swap3A_75 = vector.load %arg9[%swap3A_73, %swap3A_74] : memref<1x1xf32, #tpu.memory_space<vmem>>, vector<1x1xf32>
    tpu.vector_store %arg9[%swap3A_73, %swap3A_74], %add3A_72 {strides = array<i32>} : memref<1x1xf32, #tpu.memory_space<vmem>>, vector<1x1xf32>,
    %eq3A_76 = arith.constant 7 : i32
    %eq3A_77 = arith.cmpi eq, %arg0, %eq3A_76 : i32
    %convert_element_type3A_78 = arith.extui %eq3A_77 : i1 to i32
    %cond3A_79 = arith.constant 0 : i32
    %cond3A_80 = arith.cmpi ne, %convert_element_type3A_78, %cond3A_79 : i32
    scf.if %cond3A_80 {
      %get3A_81 = arith.constant 0 : index
      %get3A_82 = arith.constant 0 : index
      %get3A_83 = vector.load %arg9[%get3A_81, %get3A_82] : memref<1x1xf32, #tpu.memory_space<vmem>>, vector<1x1xf32>
      %div3A_84 = arith.constant 5.242880e+05 : f32
      %div3A_85 = vector.broadcast %div3A_84 : f32 to vector<1x1xf32>
      %div3A_86 = arith.divf %get3A_83, %div3A_85 : vector<1x1xf32>
      %mul3A_87 = arith.constant 2.500000e-01 : f32
      %mul3A_88 = vector.broadcast %mul3A_87 : f32 to vector<1x1xf32>
      %mul3A_89 = arith.mulf %mul3A_88, %div3A_86 : vector<1x1xf32>
      %add3A_90 = arith.addf %div3A_86, %mul3A_89 : vector<1x1xf32>
      %swap3A_91 = arith.constant 0 : index
      %swap3A_92 = arith.constant 0 : index
      %swap3A_93 = vector.load %arg9[%swap3A_91, %swap3A_92] : memref<1x1xf32, #tpu.memory_space<vmem>>, vector<1x1xf32>
      tpu.vector_store %arg9[%swap3A_91, %swap3A_92], %add3A_90 {strides = array<i32>} : memref<1x1xf32, #tpu.memory_space<vmem>>, vector<1x1xf32>,
    } else {
    }
    return
  }
  func.func @transform_0(%arg0: i32) -> (i32, i32, i32) {
    %min3A = arith.constant 3 : i32
    %min3A_0 = arith.minsi %arg0, %min3A : i32
    %c0_i32 = arith.constant 0 : i32
    %c0_i32_1 = arith.constant 0 : i32
    %c0_i32_2 = arith.constant 0 : i32
    return %min3A_0, %c0_i32, %c0_i32_1 : i32, i32, i32
  }
  func.func @transform_1(%arg0: i32) -> (i32, i32, i32) {
    %sub3A = arith.constant 4 : i32
    %sub3A_0 = arith.subi %arg0, %sub3A : i32
    %max3A = arith.constant 0 : i32
    %max3A_1 = arith.maxsi %sub3A_0, %max3A : i32
    %c0_i32 = arith.constant 0 : i32
    %c0_i32_2 = arith.constant 0 : i32
    %c0_i32_3 = arith.constant 0 : i32
    return %max3A_1, %c0_i32, %c0_i32_2 : i32, i32, i32
  }
  func.func @transform_2(%arg0: i32) -> (i32, i32, i32) {
    %min3A = arith.constant 3 : i32
    %min3A_0 = arith.minsi %arg0, %min3A : i32
    %c0_i32 = arith.constant 0 : i32
    %c0_i32_1 = arith.constant 0 : i32
    %c0_i32_2 = arith.constant 0 : i32
    return %min3A_0, %c0_i32, %c0_i32_1 : i32, i32, i32
  }
  func.func @transform_3(%arg0: i32) -> (i32, i32, i32) {
    %sub3A = arith.constant 4 : i32
    %sub3A_0 = arith.subi %arg0, %sub3A : i32
    %max3A = arith.constant 0 : i32
    %max3A_1 = arith.maxsi %sub3A_0, %max3A : i32
    %c0_i32 = arith.constant 0 : i32
    %c0_i32_2 = arith.constant 0 : i32
    %c0_i32_3 = arith.constant 0 : i32
    return %max3A_1, %c0_i32, %c0_i32_2 : i32, i32, i32
  }
  func.func @transform_4(%arg0: i32) -> (i32, i32) {
    %c0_i32 = arith.constant 0 : i32
    %c0_i32_0 = arith.constant 0 : i32
    %c0_i32_1 = arith.constant 0 : i32
    return %c0_i32, %c0_i32_0 : i32, i32
  }
  func.func @transform_5(%arg0: i32) -> (i32, i32) {
    %c0_i32 = arith.constant 0 : i32
    %c0_i32_0 = arith.constant 0 : i32
    %c0_i32_1 = arith.constant 0 : i32
    return %c0_i32, %c0_i32_0 : i32, i32
  }
  func.func @transform_6(%arg0: i32) -> (i32, i32) {
    %c0_i32 = arith.constant 0 : i32
    %c0_i32_0 = arith.constant 0 : i32
    %c0_i32_1 = arith.constant 0 : i32
    return %c0_i32, %c0_i32_0 : i32, i32
  }
  func.func @transform_7(%arg0: i32) -> (i32, i32, i32) {
    %c0_i32 = arith.constant 0 : i32
    %c0_i32_0 = arith.constant 0 : i32
    %c0_i32_1 = arith.constant 0 : i32
    return %arg0, %c0_i32, %c0_i32_0 : i32, i32, i32
  }
  func.func @transform_8(%arg0: i32) -> (i32, i32) {
    %c0_i32 = arith.constant 0 : i32
    %c0_i32_0 = arith.constant 0 : i32
    %c0_i32_1 = arith.constant 0 : i32
    return %c0_i32, %c0_i32_0 : i32, i32
  }
}

</mosaic_0001>

<sc_bundles>
// kernel: kernel.10.cloned.1.call-start
scs
__scs_entry_jumppad:
0x0: {  	(pc) =	sbr.rel $0x88, $3  }
0x1: {  	(tag) =	ssettag $0x0;
	lr =	simm.s32 $0x1  }
0x2: {  	[smem:$0x3F99] =	sst lr;
	_ =	strace $0xD0000000  }
0x3: {  	_ = 	snop  }
0x4: {  	_ = 	snop  }
0x5: {  	_ = 	snop  }
0x6: {  	_ = 	snop  }
0x7: {  	_ = 	snop  }
__scs_overlays_trampoline_lowered:
0x8: {  	[smem:$0x3FA8] =	sst s0  }
0x9: {  	[smem:$0x3FA9] =	sst s1  }
0xa: {  	[smem:$0x3FAA] =	sst s2  }
0xb: {  	[smem:$0x3FAB] =	sst s3  }
0xc: {  	[smem:$0x3FAC] =	sst s4  }
0xd: {  	[smem:$0x3FAD] =	sst s5  }
0xe: {  	[smem:$0x3FAE] =	sst s6  }
0xf: {  	[smem:$0x3FAF] =	sst s7  }
0x10: {  	[smem:$0x3FB0] =	sst s8  }
0x11: {  	[smem:$0x3FB1] =	sst s9;
	s0 =	simm.s32 @!p0 $0x0  }
0x12: {  	s1 =	sld [smem:$0x3F97];
	s0 =	simm.s32 @p0 $0x1  }
0x13: {  	[smem:$0x3FB2] =	sst s0;
	s0 =	simm.s32 @!p1 $0x0  }
0x14: {  	s2 =	sld [smem:$0x3F96];
	s0 =	simm.s32 @p1 $0x1  }
0x15: {  	[smem:$0x3FB3] =	sst s0;
	s0 =	simm.s32 @!p2 $0x0  }
0x16: {  	s3 =	sld [smem:$0x3FDB];
	s0 =	simm.s32 @p2 $0x1  }
0x17: {  	s4 =	simm.s32 $0x1BF5;
	[smem:$0x3FB5] =	sst s0  }
0x18: {  	s0 =	sld [smem:$0x3F98];
	_ =	swait.ge [sflag:s4], $0x0  }
0x19: {  	s7 =	sld [smem:$0x3F99]  }
0x1a: {  	s8 =	sadd.s32 $0xFFFFE003, lr  }
0x1b: {  	s9 =	sadd.s32 $0xFFFFFEF7, lr;
	s5 =	simm.s32 $0xFFFFFFFF;
	p2 =	slt.u32 s8, $0xFFFFF086  }
0x1c: {  	p1 =	slt.u32 s9, $0xF7A;
	s5 =	simm.s32 @!p2 $0x0  }
0x1d: {  	s5 =	simm.s32 @p1 $0x1;
	p0 =	seq.s32 s7, s2  }
0x1e: {  	s7 =	smul.u32 @!p0 $0xF7A, s2;
	p2 =	seq.s32 @!p0 s5, $0x0  }
0x1f: {  	s9 =	smul.u32 $0xF7A, s1;
	s8 =	simm.s32 @!p0 $0x1BF5;
	p2 =	por !p2, p0  }
0x20: {  	[sflag:s8] =	ssyncset.s32 @!p0 $0xFFFFF086;
	s6 =	sadd.s32 @!p0 s3, s7;
	s7 =	simm.s32 @!p0 $0x108  }
0x21: {  	s3 =	sadd.s32 s3, s9;
	s6 =	sadd.s32 @!p0 $0x88, s6;
	s7 =	simm.s32 @p2 $0x1082  }
0x22: {  	[simem:s7], [sflag:s8] =	dma.local @!p0 [hbm:s6], $0xF7A  }
0x23: {  	s9 =	sor.u32 $0xD0000000, s2;
	s6 =	simm.s32 $0x108;
	_ =	swait.ge @!p0 [sflag:s8], $0x0  }
0x24: {  	s3 =	sadd.s32 $0x88, s3;
	s6 =	simm.s32 @!p1 $0x1082;
	[sflag:s4] =	ssyncset.s32 $0xFFFFF086  }
0x25: {  	[simem:s6], [sflag:s4] =	dma.local [hbm:s3], $0xF7A  }
0x26: {  	[smem:$0x3F99] =	sst s1;
	(tag) =	ssettag s2;
	_ =	strace s9  }
0x27: {  	s1 =	sld [smem:$0x3FA9]  }
0x28: {  	s2 =	sld [smem:$0x3FAA]  }
0x29: {  	s4 =	sld [smem:$0x3FAC]  }
0x2a: {  	p0 =	seq.s32 s5, $0x0;
	s5 =	sld [smem:$0x3FAD]  }
0x2b: {  	s6 =	sld [smem:$0x3FAE]  }
0x2c: {  	s7 =	sld [smem:$0x3FAF]  }
0x2d: {  	s3 =	simm.s32 $0x108;
	s8 =	sld [smem:$0x3FB0]  }
0x2e: {  	s3 =	simm.s32 @!p0 $0x1082;
	s9 =	sld [smem:$0x3FB1]  }
0x2f: {  	lr =	sadd.s32 s0, s3;
	s0 =	sld [smem:$0x3FA8]  }
0x30: {  	s3 =	sld [smem:$0x3FAB]  }
0x31: {  	[smem:$0x3FB4] =	sst s10  }
0x32: {  	s10 =	sld [smem:$0x3FB2];
	_ =	sdelay $0x3  }
0x33: {  	p0 =	seq.s32 s10, $0x1;
	s10 =	sld [smem:$0x3FB4];
	_ =	sdelay $0x3  }
0x34: {  	[smem:$0x3FB4] =	sst s10  }
0x35: {  	s10 =	sld [smem:$0x3FB3];
	_ =	sdelay $0x3  }
0x36: {  	p1 =	seq.s32 s10, $0x1;
	s10 =	sld [smem:$0x3FB4];
	_ =	sdelay $0x3  }
0x37: {  	[smem:$0x3FB4] =	sst s10  }
0x38: {  	s10 =	sld [smem:$0x3FB5]  }
0x39: {  	_ = 	snop;
	(pc) =	sbr.ind lr, $3  }
0x3a: {  	_ = 	snop  }
0x3b: {  	_ = 	snop  }
0x3c: {  	p2 =	seq.s32 s10, $0x1;
	s10 =	sld [smem:$0x3FB4]  }
0x3d: {  	_ =	shalt  }
0x3e: {  	_ =	shalt  }
0x3f: {  	_ =	shalt  }
0x40: {  	_ =	shalt  }
0x41: {  	_ =	shalt  }
0x42: {  	_ =	shalt  }
0x43: {  	_ =	shalt  }
0x44: {  	_ =	shalt  }
0x45: {  	_ =	shalt  }
0x46: {  	_ =	shalt  }
0x47: {  	_ =	shalt  }
0x48: {  	_ =	shalt  }
0x49: {  	_ =	shalt  }
0x4a: {  	_ =	shalt  }
0x4b: {  	_ =	shalt  }
0x4c: {  	_ =	shalt  }
0x4d: {  	_ =	shalt  }
0x4e: {  	_ =	shalt  }
0x4f: {  	_ =	shalt  }
0x50: {  	_ =	shalt  }
0x51: {  	_ =	shalt  }
0x52: {  	_ =	shalt  }
0x53: {  	_ =	shalt  }
0x54: {  	_ =	shalt  }
0x55: {  	_ =	shalt  }
0x56: {  	_ =	shalt  }
0x57: {  	_ =	shalt  }
0x58: {  	_ =	shalt  }
0x59: {  	_ =	shalt  }
0x5a: {  	_ =	shalt  }
0x5b: {  	_ =	shalt  }
0x5c: {  	_ =	shalt  }
0x5d: {  	_ =	shalt  }
0x5e: {  	_ =	shalt  }
0x5f: {  	_ =	shalt  }
0x60: {  	_ =	shalt  }
0x61: {  	_ =	shalt  }
0x62: {  	_ =	shalt  }
0x63: {  	_ =	shalt  }
0x64: {  	_ =	shalt  }
0x65: {  	_ =	shalt  }
0x66: {  	_ =	shalt  }
0x67: {  	_ =	shalt  }
0x68: {  	_ =	shalt  }
0x69: {  	_ =	shalt  }
0x6a: {  	_ =	shalt  }
0x6b: {  	_ =	shalt  }
0x6c: {  	_ =	shalt  }
0x6d: {  	_ =	shalt  }
0x6e: {  	_ =	shalt  }
0x6f: {  	_ =	shalt  }
0x70: {  	_ =	shalt  }
0x71: {  	_ =	shalt  }
0x72: {  	_ =	shalt  }
0x73: {  	_ =	shalt  }
0x74: {  	_ =	shalt  }
0x75: {  	_ =	shalt  }
0x76: {  	_ =	shalt  }
0x77: {  	_ =	shalt  }
0x78: {  	_ =	shalt  }
0x79: {  	_ =	shalt  }
0x7a: {  	_ =	shalt  }
0x7b: {  	_ =	shalt  }
0x7c: {  	_ =	shalt  }
0x7d: {  	_ =	shalt  }
0x7e: {  	_ =	shalt  }
0x7f: {  	_ =	shalt  }
0x80: {  	_ =	shalt  }
0x81: {  	_ =	shalt  }
0x82: {  	_ =	shalt  }
0x83: {  	_ =	shalt  }
0x84: {  	_ =	shalt  }
0x85: {  	_ =	shalt  }
0x86: {  	_ =	shalt  }
0x87: {  	_ =	shalt  }
.Lfunc_end0:
.L_simem_size_0:
called_computation.1_lowered:
.L_overlay_start_0:
0x88: {  	s2 =	sld [smem:$0x3FD9]  }
0x89: {  	s3 =	sld [smem:$0x3FFE];
	_ =	sdelay $0x1  }
0x8a: {  	s1 =	srdreg.scid  }
0x8b: {  	s0 =	sand.u32 $0x1, s1  }
0x8c: {  	s15 =	sshll.u32 s0, $0xA;
	s2 =	sadd.s32 s3, s2  }
0x8d: {  	s2 =	sadd.s32 s2, s15  }
0x8e: {  	[smem:$0x3FC0] =	sst s2  }
0x8f: {  	_ = 	snop  }
0x90: {  	s2 =	sld [smem:$0x3FD0];
	_ =	sdelay $0x2  }
0x91: {  	s16 =	simm.s32 $0xB;
	s4 =	simm.s32 $0x10  }
0x92: {  	[smem:s4], [sflag:s16] =	dma.local [hbm:s2], $0x1  }
0x93: {  	_ =	swait.eq [sflag:s16], $0x1  }
0x94: {  	[sflag:s16] =	ssyncset.done $0x0  }
0x95: {  	[sflag:s16] =	ssyncadd.s32 $0xFFFFFFFF  }
0x96: {  	s17 =	sld [smem:$0x10];
	(tm) =	ssettm $0x1  }
0x97: {  	s18 =	sld [smem:$0x3FFB];
	_ =	sdelay $0x3  }
0x98: {  	_ =	strace s18  }
0x99: {  	s2 =	sld [smem:$0x3FFC];
	_ =	sdelay $0x3  }
0x9a: {  	_ =	strace s2  }
0x9b: {  	s2 =	sld [smem:$0x3FFD];
	_ =	sdelay $0x3  }
0x9c: {  	_ =	strace s2  }
0x9d: {  	_ =	strace $0x8FFFFFFF  }
0x9e: {  	s19 =	sld [smem:$0x3FDB];
	_ =	sdelay $0x1  }
0x9f: {  	s20 =	simm.s32 $_scs_section_size  }
0xa0: {  	s5 =	simm.s32 $_size__tile_overlayer_lowered;
	s6 =	simm.s32 $_tile_overlayer_lowered  }
0xa1: {  	s7 =	simm.s32 $0x1BFF;
	s21 =	sshll.u32 s6, $0x1;
	s4 =	sadd.s32 s20, s19  }
0xa2: {  	s22 =	simm.s32 $0x0;
	s5 =	sshll.u32 s5, $0x1;
	s6 =	sadd.s32 s21, s4  }
0xa3: {  	[timem:s22], [sflag:s7] =	dma.local [hbm:s6], s5  }
0xa4: {  	_ =	swait.ge [sflag:s7], s5  }
0xa5: {  	s5 =	ssub.s32 $0x0, s5;
	[sflag:s7] =	ssyncset.done $0x0  }
0xa6: {  	[sflag:s7] =	ssyncadd.s32 s5;
	_ =	sdelay $0x1  }
0xa7: {  	s23 =	simm.s32 $0x1B8B  }
0xa8: {  	_ =	swait.ge [sflag:s23], $0x1  }
0xa9: {  	[sflag:s23] =	ssyncset.done $0x0  }
0xaa: {  	[sflag:s23] =	ssyncadd.s32 $0xFFFFFFFF  }
0xab: {  	s5 =	sld [smem:$0x0]  }
0xac: {  	s6 =	sand.u32 $0xFFFFFFFE, s1  }
0xad: {  	p0 =	sne.s32 s1, s6  }
0xae: {  	s6 =	sshll.u32 @p0 s6, $0xE  }
0xaf: {  	s6 =	sadd.s32 @p0 $0x11B8D, s6;
	s7 =	sshll.u32 @p0 s5, $0x11  }
0xb0: {  	s6 =	sor.u32 @p0 s7, s6  }
0xb1: {  	[sflag:s6] =	ssyncadd.remote.s32 @p0 $0x1;
	_ =	sdelay $0x1  }
0xb2: {  	s6 =	simm.s32 @p0 $0x1B8D  }
0xb3: {  	_ =	swait.eq @p0 [sflag:s6], $0x1  }
0xb4: {  	[sflag:s6] =	ssyncadd.s32 @p0 $0xFFFFFFFF  }
0xb5: {  	s7 =	sshll.u32 @!p0 s1, $0xE  }
0xb6: {  	s7 =	sor.u32 @!p0 $0x4000, s7;
	s6 =	simm.s32 @!p0 $0x1B8D  }
0xb7: {  	s5 =	sshll.u32 @!p0 s5, $0x11;
	s7 =	sadd.s32 @!p0 $0x11B8D, s7;
	_ =	swait.eq @!p0 [sflag:s6], $0x1  }
0xb8: {  	s5 =	sor.u32 @!p0 s5, s7;
	[sflag:s6] =	ssyncadd.s32 @!p0 $0xFFFFFFFF  }
0xb9: {  	s25 =	simm.s32 $0x1B8E;
	s24 =	sld [smem:$0x3FFE];
	[sflag:s5] =	ssyncadd.remote.s32 @!p0 $0x1  }
0xba: {  	s26 =	simm.s32 $execute0_lowered;
	[smem:$0x3FD2] =	sst s25  }
0xbb: {  	s6 =	sshll.u32 s26, $0x1;
	_ =	strace $0x80000049;
	[dreg:$0x1] =	wrdreg $0xFFFFFFFF  }
0xbc: {  	s28 =	simm.s32 $_size_execute0_lowered;
	s4 =	sadd.s32 s4, s6;
	[dreg:$0x0] =	wrdreg $0x0  }
0xbd: {  	s6 =	sshll.u32 s28, $0x1;
	[dreg:$0x2] =	wrdreg s4  }
0xbe: {  	[dreg:$0x3] =	wrdreg s6  }
0xbf: {  	[dreg:$0x4] =	wrdreg $0xC0  }
0xc0: {  	_ =	task [dreg:s22], $0x5FFFF  }
0xc1: {  	[dreg:$0x1] =	wrdreg $0xFFFFFFFF  }
0xc2: {  	[dreg:$0x0] =	wrdreg $0x60  }
0xc3: {  	[dreg:$0x2] =	wrdreg s24  }
0xc4: {  	[dreg:$0x3] =	wrdreg s17  }
0xc5: {  	[dreg:$0x4] =	wrdreg $0xA  }
0xc6: {  	_ =	task.clear_ibuf [dreg:s22], $0x5FFFF;
	_ =	strace $0x90000049  }
0xc7: {  	s29 =	simm.s32 $0xA;
	_ =	strace $0x8000004B  }
0xc8: {  	_ =	swait.ge [sflag:s29], $0x1  }
0xc9: {  	[sflag:s29] =	ssyncadd.s32 $0xFFFFFFFF  }
0xca: {  	_ =	strace $0x9000004B  }
0xcb: {  	_ =	sfence  }
0xcc: {  	s30 =	sld [smem:$0x0];
	_ =	sdelay $0x2  }
0xcd: {  	s31 =	sshll.u32 s1, $0xD;
	s1 =	sshrl.u32 s1, $0x2  }
0xce: {  	s4 =	sand.u32 $0x4000, s31;
	s1 =	sadd.s32 s1, s30  }
0xcf: {  	s0 =	sor.u32 s4, s0;
	s1 =	sshll.u32 s1, $0x11  }
0xd0: {  	s0 =	sor.u32 s1, s0  }
0xd1: {  	s0 =	sadd.s32 $0x8F2B, s0  }
0xd2: {  	[sflag:s0] =	ssyncadd.remote.s32 $0x1  }
0xd3: {  	_ =	sfence.sel $0xFFFF  }
0xd4: {  	[dreg:$0x0] =	wrdreg $0xFFFFFFFF;
	(pc) =	sbr.abs _section_cstart, $3  }
0xd5: {  	[dreg:$0x1] =	wrdreg $0xFFFFFFFF  }
0xd6: {  	_ =	task.clear_ibuf [dreg:s22], $0x2FFFF;
	_ =	strace $0x9FFFFFFF  }
0xd7: {  	(tm) =	ssettm $0x7FFFFFFF  }
tec
execute0_lowered:
.L_overlay_start_1:
0x0: {  	(tag) =	ssettag $0x1  }
0x1: {  	s1 =	srdreg.scid;
	s0 =	stileid.u32  }
0x2: {  	s5 =	rddreg [dreg:$0x0];
	s6 =	sand.u32 $0x1, s1;
	s30 =	sshll.u32 s0, $0x1  }
0x3: {  	s8 =	rddreg [dreg:$0x1];
	s2 =	simm.s32 $0x0;
	s9 =	sor.u32 s6, s30  }
0x4: {  	[smem:$0x7FF] =	sst s2;
	s3 =	sshll.u32 s9, $0x4  }
0x5: {  	s1 =	rddreg [dreg:$0x2];
	_ =	strace $0x8000004A;
	s3 =	sadd.s32 s3, s5  }
0x6: {  	s10 =	ssub.s32 $0x2, s6;
	s4 =	sadd.s32 $0x32400, s3;
	s3 =	simm.s32 $0x2  }
0x7: {  	[tilespmem:s2], [sflag:$0x2] =	stream.linear.gather [hbm4b:s4+s2], $0x80, $0x38;
	[tilespmem:$0x4080] =	vst v63  }
0x8: {  	s7 =	simm.s32 $0x1;
	s11 =	sshrl.u32 s10, $0x1;
	_ =	swait.ge [sflag:s3], $0x80  }
0x9: {  	s6 =	simm.s32 $0x80;
	s10 =	ssub.s32 s10, s11;
	[sflag:s3] =	ssyncset.done $0x0  }
0xa: {  	s5 =	sadd.s32 $0x2200, s5;
	s31 =	smax.u32 s10, $0x1;
	[sflag:s3] =	ssyncadd.s32 $0xFFFFFF80  }
0xb: {  	[tilespmem:s6], [sflag:$0x1] =	stream.indirect.gather [hbm4b:s5+s6], $0x80, s2, s6, $0xb8;
	[tilespmem:$0x4080] =	vst v63  }
0xc: {  	p0 =	sne.s32 s31, $0x1;
	_ =	swait.ge [sflag:s7], $0x4000  }
.Ltmp0:
0xd: {  	s9 =	sshll.u32 s9, $0xB;
	[sflag:s7] =	ssyncset.done $0x0;
	(pc) =	sbr.rel @!p0 .LBB2_2-.Ltmp0, $4  }
0xe: {  	s8 =	sadd.s32 s8, s9;
	[sflag:s7] =	ssyncadd.s32 $0xFFFFC000  }
0xf: {  	[hbm4b:s8+s2] =	stream.linear.scatter [tilespmem:s6], [sflag:$0x2], $0x4000, $0x38;
	[tilespmem:$0x4080] =	vst v63  }
0x10: {  	_ =	swait.ge [sflag:s3], $0x4000  }
0x11: {  	s9 =	sadd.s32 $0xFFFFFFFF, s31;
	[sflag:s3] =	ssyncset.done $0x0  }
.LBB2_1:
0x12: {  	p0 =	sne.s32 s9, $0x1;
	s9 =	sadd.s32 $0xFFFFFFFF, s9;
	[sflag:s3] =	ssyncadd.s32 $0xFFFFC000  }
0x13: {  	[tilespmem:s2], [sflag:$0x2] =	stream.linear.gather [hbm4b:s4+s2], $0x80, $0x38;
	[tilespmem:$0x4080] =	vst v63  }
0x14: {  	_ =	swait.ge [sflag:s3], $0x80  }
0x15: {  	[sflag:s3] =	ssyncset.done $0x0  }
0x16: {  	[sflag:s3] =	ssyncadd.s32 $0xFFFFFF80  }
0x17: {  	[tilespmem:s6], [sflag:$0x1] =	stream.indirect.gather [hbm4b:s5+s6], $0x80, s2, s6, $0xb8;
	[tilespmem:$0x4080] =	vst v63  }
0x18: {  	_ =	swait.ge [sflag:s7], $0x4000  }
.Ltmp1:
0x19: {  	[sflag:s7] =	ssyncset.done $0x0;
	(pc) =	sbr.rel @p0 .LBB2_1-.Ltmp1, $4  }
0x1a: {  	[sflag:s7] =	ssyncadd.s32 $0xFFFFC000  }
0x1b: {  	[hbm4b:s8+s2] =	stream.linear.scatter [tilespmem:s6], [sflag:$0x2], $0x4000, $0x38;
	[tilespmem:$0x4080] =	vst v63  }
0x1c: {  	_ =	swait.ge [sflag:s3], $0x4000  }
0x1d: {  	[sflag:s3] =	ssyncset.done $0x0  }
.LBB2_2:
0x1e: {  	[sflag:s3] =	ssyncadd.s32 $0xFFFFC000  }
0x1f: {  	_ =	sfence.sel $0x180000  }
0x20: {  	[bflag:$0x0] =	sbarrier.arrive $0xFFFF  }
0x21: {  	p0 =	sne.s32 s0, $0x0;
	_ =	strace $0x9000004A  }
0x22: {  	s0 =	sadd.s32 @!p0 $0x100000, s1;
	[bflag:$0x2] =	sbarrier.arrive $0xFFFF  }
0x23: {  	[sflag:s0] =	ssyncadd.tile.s32 @!p0 $0x1;
	_ =	shalt  }
.Lfunc_end2:
_tile_overlayer_lowered:
.L_overlay_start_2:
0x24: {  	(tag) =	ssettag $0x2  }
0x25: {  	s0 =	rddreg [dreg:$0x0];
	s2 =	stileid.u32  }
0x26: {  	s1 =	rddreg [dreg:$0x1];
	p0 =	sne.s32 s2, $0x0  }
0x27: {  	s3 =	rddreg [dreg:$0x2];
	[bflag:$0x3] =	sbarrier.arrive $0xFFFF;
	s2 =	simm.s32 @!p0 $0x1C02  }
0x28: {  	[timem:s3], [sflag:s2] =	dma.local @!p0 [hbm:s0], s1  }
0x29: {  	s0 =	simm.s32 @!p0 $0x2  }
0x2a: {  	_ =	swait.ge @!p0 [sflag:s0], s1  }
0x2b: {  	s1 =	ssub.s32 @!p0 $0x0, s1;
	[sflag:s0] =	ssyncset.done @!p0 $0x0  }
0x2c: {  	[sflag:s0] =	ssyncadd.s32 @!p0 s1  }
0x2d: {  	[bflag:$0x3] =	sbarrier.arrive $0xFFFF  }
0x2e: {  	_ =	shalt  }

// kernel: kernel.7.cloned.1.call-start
scs
__scs_entry_jumppad:
0x0: {  	(pc) =	sbr.rel $0x88, $3  }
0x1: {  	(tag) =	ssettag $0x0;
	lr =	simm.s32 $0x1  }
0x2: {  	[smem:$0x3F99] =	sst lr;
	_ =	strace $0xD0000000  }
0x3: {  	_ = 	snop  }
0x4: {  	_ = 	snop  }
0x5: {  	_ = 	snop  }
0x6: {  	_ = 	snop  }
0x7: {  	_ = 	snop  }
__scs_overlays_trampoline_lowered:
0x8: {  	[smem:$0x3FA8] =	sst s0  }
0x9: {  	[smem:$0x3FA9] =	sst s1  }
0xa: {  	[smem:$0x3FAA] =	sst s2  }
0xb: {  	[smem:$0x3FAB] =	sst s3  }
0xc: {  	[smem:$0x3FAC] =	sst s4  }
0xd: {  	[smem:$0x3FAD] =	sst s5  }
0xe: {  	[smem:$0x3FAE] =	sst s6  }
0xf: {  	[smem:$0x3FAF] =	sst s7  }
0x10: {  	[smem:$0x3FB0] =	sst s8  }
0x11: {  	[smem:$0x3FB1] =	sst s9;
	s0 =	simm.s32 @!p0 $0x0  }
0x12: {  	s1 =	sld [smem:$0x3F97];
	s0 =	simm.s32 @p0 $0x1  }
0x13: {  	[smem:$0x3FB2] =	sst s0;
	s0 =	simm.s32 @!p1 $0x0  }
0x14: {  	s2 =	sld [smem:$0x3F96];
	s0 =	simm.s32 @p1 $0x1  }
0x15: {  	[smem:$0x3FB3] =	sst s0;
	s0 =	simm.s32 @!p2 $0x0  }
0x16: {  	s3 =	sld [smem:$0x3FDB];
	s0 =	simm.s32 @p2 $0x1  }
0x17: {  	s4 =	simm.s32 $0x1BF5;
	[smem:$0x3FB5] =	sst s0  }
0x18: {  	s0 =	sld [smem:$0x3F98];
	_ =	swait.ge [sflag:s4], $0x0  }
0x19: {  	s7 =	sld [smem:$0x3F99]  }
0x1a: {  	s8 =	sadd.s32 $0xFFFFE003, lr  }
0x1b: {  	s9 =	sadd.s32 $0xFFFFFEF7, lr;
	s5 =	simm.s32 $0xFFFFFFFF;
	p2 =	slt.u32 s8, $0xFFFFF086  }
0x1c: {  	p1 =	slt.u32 s9, $0xF7A;
	s5 =	simm.s32 @!p2 $0x0  }
0x1d: {  	s5 =	simm.s32 @p1 $0x1;
	p0 =	seq.s32 s7, s2  }
0x1e: {  	s7 =	smul.u32 @!p0 $0xF7A, s2;
	p2 =	seq.s32 @!p0 s5, $0x0  }
0x1f: {  	s9 =	smul.u32 $0xF7A, s1;
	s8 =	simm.s32 @!p0 $0x1BF5;
	p2 =	por !p2, p0  }
0x20: {  	[sflag:s8] =	ssyncset.s32 @!p0 $0xFFFFF086;
	s6 =	sadd.s32 @!p0 s3, s7;
	s7 =	simm.s32 @!p0 $0x108  }
0x21: {  	s3 =	sadd.s32 s3, s9;
	s6 =	sadd.s32 @!p0 $0x88, s6;
	s7 =	simm.s32 @p2 $0x1082  }
0x22: {  	[simem:s7], [sflag:s8] =	dma.local @!p0 [hbm:s6], $0xF7A  }
0x23: {  	s9 =	sor.u32 $0xD0000000, s2;
	s6 =	simm.s32 $0x108;
	_ =	swait.ge @!p0 [sflag:s8], $0x0  }
0x24: {  	s3 =	sadd.s32 $0x88, s3;
	s6 =	simm.s32 @!p1 $0x1082;
	[sflag:s4] =	ssyncset.s32 $0xFFFFF086  }
0x25: {  	[simem:s6], [sflag:s4] =	dma.local [hbm:s3], $0xF7A  }
0x26: {  	[smem:$0x3F99] =	sst s1;
	(tag) =	ssettag s2;
	_ =	strace s9  }
0x27: {  	s1 =	sld [smem:$0x3FA9]  }
0x28: {  	s2 =	sld [smem:$0x3FAA]  }
0x29: {  	s4 =	sld [smem:$0x3FAC]  }
0x2a: {  	p0 =	seq.s32 s5, $0x0;
	s5 =	sld [smem:$0x3FAD]  }
0x2b: {  	s6 =	sld [smem:$0x3FAE]  }
0x2c: {  	s7 =	sld [smem:$0x3FAF]  }
0x2d: {  	s3 =	simm.s32 $0x108;
	s8 =	sld [smem:$0x3FB0]  }
0x2e: {  	s3 =	simm.s32 @!p0 $0x1082;
	s9 =	sld [smem:$0x3FB1]  }
0x2f: {  	lr =	sadd.s32 s0, s3;
	s0 =	sld [smem:$0x3FA8]  }
0x30: {  	s3 =	sld [smem:$0x3FAB]  }
0x31: {  	[smem:$0x3FB4] =	sst s10  }
0x32: {  	s10 =	sld [smem:$0x3FB2];
	_ =	sdelay $0x3  }
0x33: {  	p0 =	seq.s32 s10, $0x1;
	s10 =	sld [smem:$0x3FB4];
	_ =	sdelay $0x3  }
0x34: {  	[smem:$0x3FB4] =	sst s10  }
0x35: {  	s10 =	sld [smem:$0x3FB3];
	_ =	sdelay $0x3  }
0x36: {  	p1 =	seq.s32 s10, $0x1;
	s10 =	sld [smem:$0x3FB4];
	_ =	sdelay $0x3  }
0x37: {  	[smem:$0x3FB4] =	sst s10  }
0x38: {  	s10 =	sld [smem:$0x3FB5]  }
0x39: {  	_ = 	snop;
	(pc) =	sbr.ind lr, $3  }
0x3a: {  	_ = 	snop  }
0x3b: {  	_ = 	snop  }
0x3c: {  	p2 =	seq.s32 s10, $0x1;
	s10 =	sld [smem:$0x3FB4]  }
0x3d: {  	_ =	shalt  }
0x3e: {  	_ =	shalt  }
0x3f: {  	_ =	shalt  }
0x40: {  	_ =	shalt  }
0x41: {  	_ =	shalt  }
0x42: {  	_ =	shalt  }
0x43: {  	_ =	shalt  }
0x44: {  	_ =	shalt  }
0x45: {  	_ =	shalt  }
0x46: {  	_ =	shalt  }
0x47: {  	_ =	shalt  }
0x48: {  	_ =	shalt  }
0x49: {  	_ =	shalt  }
0x4a: {  	_ =	shalt  }
0x4b: {  	_ =	shalt  }
0x4c: {  	_ =	shalt  }
0x4d: {  	_ =	shalt  }
0x4e: {  	_ =	shalt  }
0x4f: {  	_ =	shalt  }
0x50: {  	_ =	shalt  }
0x51: {  	_ =	shalt  }
0x52: {  	_ =	shalt  }
0x53: {  	_ =	shalt  }
0x54: {  	_ =	shalt  }
0x55: {  	_ =	shalt  }
0x56: {  	_ =	shalt  }
0x57: {  	_ =	shalt  }
0x58: {  	_ =	shalt  }
0x59: {  	_ =	shalt  }
0x5a: {  	_ =	shalt  }
0x5b: {  	_ =	shalt  }
0x5c: {  	_ =	shalt  }
0x5d: {  	_ =	shalt  }
0x5e: {  	_ =	shalt  }
0x5f: {  	_ =	shalt  }
0x60: {  	_ =	shalt  }
0x61: {  	_ =	shalt  }
0x62: {  	_ =	shalt  }
0x63: {  	_ =	shalt  }
0x64: {  	_ =	shalt  }
0x65: {  	_ =	shalt  }
0x66: {  	_ =	shalt  }
0x67: {  	_ =	shalt  }
0x68: {  	_ =	shalt  }
0x69: {  	_ =	shalt  }
0x6a: {  	_ =	shalt  }
0x6b: {  	_ =	shalt  }
0x6c: {  	_ =	shalt  }
0x6d: {  	_ =	shalt  }
0x6e: {  	_ =	shalt  }
0x6f: {  	_ =	shalt  }
0x70: {  	_ =	shalt  }
0x71: {  	_ =	shalt  }
0x72: {  	_ =	shalt  }
0x73: {  	_ =	shalt  }
0x74: {  	_ =	shalt  }
0x75: {  	_ =	shalt  }
0x76: {  	_ =	shalt  }
0x77: {  	_ =	shalt  }
0x78: {  	_ =	shalt  }
0x79: {  	_ =	shalt  }
0x7a: {  	_ =	shalt  }
0x7b: {  	_ =	shalt  }
0x7c: {  	_ =	shalt  }
0x7d: {  	_ =	shalt  }
0x7e: {  	_ =	shalt  }
0x7f: {  	_ =	shalt  }
0x80: {  	_ =	shalt  }
0x81: {  	_ =	shalt  }
0x82: {  	_ =	shalt  }
0x83: {  	_ =	shalt  }
0x84: {  	_ =	shalt  }
0x85: {  	_ =	shalt  }
0x86: {  	_ =	shalt  }
0x87: {  	_ =	shalt  }
.Lfunc_end0:
.L_simem_size_0:
called_computation_lowered:
.L_overlay_start_0:
0x88: {  	s2 =	sld [smem:$0x3FD9]  }
0x89: {  	s3 =	sld [smem:$0x3FFE];
	_ =	sdelay $0x1  }
0x8a: {  	s1 =	srdreg.scid  }
0x8b: {  	s0 =	sand.u32 $0x1, s1  }
0x8c: {  	s16 =	sshll.u32 s0, $0xA;
	s2 =	sadd.s32 s3, s2  }
0x8d: {  	s2 =	sadd.s32 s2, s16  }
0x8e: {  	[smem:$0x3FC0] =	sst s2  }
0x8f: {  	_ = 	snop  }
0x90: {  	(tm) =	ssettm $0x1  }
0x91: {  	s17 =	sld [smem:$0x3FFB];
	_ =	sdelay $0x3  }
0x92: {  	_ =	strace s17  }
0x93: {  	s2 =	sld [smem:$0x3FFC];
	_ =	sdelay $0x3  }
0x94: {  	_ =	strace s2  }
0x95: {  	s2 =	sld [smem:$0x3FFD];
	_ =	sdelay $0x3  }
0x96: {  	_ =	strace s2  }
0x97: {  	_ =	strace $0x8FFFFFFF  }
0x98: {  	s18 =	sld [smem:$0x3FDB];
	_ =	sdelay $0x1  }
0x99: {  	s19 =	simm.s32 $_scs_section_size  }
0x9a: {  	s4 =	simm.s32 $_size__tile_overlayer_lowered;
	s5 =	simm.s32 $_tile_overlayer_lowered  }
0x9b: {  	s22 =	simm.s32 $0x1BFF;
	s21 =	sshll.u32 s5, $0x1;
	s2 =	sadd.s32 s19, s18  }
0x9c: {  	s6 =	simm.s32 $0x0;
	s20 =	sshll.u32 s4, $0x1;
	s4 =	sadd.s32 s21, s2  }
0x9d: {  	[timem:s6], [sflag:s22] =	dma.local [hbm:s4], s20  }
0x9e: {  	_ =	swait.ge [sflag:s22], s20  }
0x9f: {  	s3 =	ssub.s32 $0x0, s20;
	[sflag:s22] =	ssyncset.done $0x0  }
0xa0: {  	[sflag:s22] =	ssyncadd.s32 s3;
	_ =	sdelay $0x1  }
0xa1: {  	s23 =	simm.s32 $0x1B8B  }
0xa2: {  	_ =	swait.ge [sflag:s23], $0x1  }
0xa3: {  	[sflag:s23] =	ssyncset.done $0x0  }
0xa4: {  	s25 =	simm.s32 $0x1B8E;
	s24 =	sld [smem:$0x3FFE];
	[sflag:s23] =	ssyncadd.s32 $0xFFFFFFFF  }
0xa5: {  	s26 =	simm.s32 $execute0_lowered;
	[smem:$0x3FD2] =	sst s25  }
0xa6: {  	s4 =	sshll.u32 s26, $0x1;
	_ =	strace $0x80000046;
	[dreg:$0x1] =	wrdreg $0xFFFFFFFF  }
0xa7: {  	s28 =	simm.s32 $_size_execute0_lowered;
	s2 =	sadd.s32 s2, s4;
	[dreg:$0x0] =	wrdreg $0x0  }
0xa8: {  	s4 =	sshll.u32 s28, $0x1;
	[dreg:$0x2] =	wrdreg s2  }
0xa9: {  	[dreg:$0x3] =	wrdreg s4  }
0xaa: {  	[dreg:$0x4] =	wrdreg $0xC0  }
0xab: {  	_ =	task [dreg:s6], $0x5FFFF  }
0xac: {  	[dreg:$0x1] =	wrdreg $0xFFFFFFFF  }
0xad: {  	[dreg:$0x0] =	wrdreg $0x60  }
0xae: {  	[dreg:$0x2] =	wrdreg s24  }
0xaf: {  	[dreg:$0x3] =	wrdreg $0x9  }
0xb0: {  	_ =	task.clear_ibuf [dreg:s6], $0x4FFFF;
	_ =	strace $0x90000046  }
0xb1: {  	s29 =	simm.s32 $0x9;
	_ =	strace $0x80000048  }
0xb2: {  	_ =	swait.ge [sflag:s29], $0x1  }
0xb3: {  	[sflag:s29] =	ssyncadd.s32 $0xFFFFFFFF  }
0xb4: {  	_ =	strace $0x90000048  }
0xb5: {  	_ =	sfence  }
0xb6: {  	s30 =	sld [smem:$0x0];
	_ =	sdelay $0x2  }
0xb7: {  	s31 =	sshll.u32 s1, $0xD;
	s1 =	sshrl.u32 s1, $0x2  }
0xb8: {  	s3 =	sand.u32 $0x4000, s31;
	s1 =	sadd.s32 s1, s30  }
0xb9: {  	s0 =	sor.u32 s3, s0;
	s1 =	sshll.u32 s1, $0x11  }
0xba: {  	s0 =	sor.u32 s1, s0  }
0xbb: {  	s0 =	sadd.s32 $0x8F2B, s0  }
0xbc: {  	[sflag:s0] =	ssyncadd.remote.s32 $0x1  }
0xbd: {  	_ =	sfence.sel $0xFFFF  }
0xbe: {  	[dreg:$0x0] =	wrdreg $0xFFFFFFFF;
	(pc) =	sbr.abs _section_cstart, $3  }
0xbf: {  	[dreg:$0x1] =	wrdreg $0xFFFFFFFF  }
0xc0: {  	_ =	task.clear_ibuf [dreg:s6], $0x2FFFF;
	_ =	strace $0x9FFFFFFF  }
0xc1: {  	(tm) =	ssettm $0x7FFFFFFF  }
tec
execute0_lowered:
.L_overlay_start_1:
0x0: {  	(tag) =	ssettag $0x1  }
0x1: {  	s1 =	srdreg.scid;
	s0 =	stileid.u32  }
0x2: {  	s8 =	rddreg [dreg:$0x0];
	s6 =	sand.u32 $0x1, s1;
	s30 =	sshll.u32 s0, $0x1  }
0x3: {  	s2 =	simm.s32 $0x0;
	s1 =	rddreg [dreg:$0x1];
	s9 =	sor.u32 s6, s30  }
0x4: {  	s7 =	simm.s32 $0x1;
	[smem:$0x7FF] =	sst s2;
	s3 =	sshll.u32 s9, $0x4  }
0x5: {  	s5 =	sadd.s32 $0x2200, s8;
	_ =	strace $0x80000047;
	s3 =	sadd.s32 s3, s8  }
0x6: {  	s10 =	ssub.s32 $0x2, s6;
	s4 =	sadd.s32 $0x22200, s3;
	s3 =	simm.s32 $0x2  }
0x7: {  	[tilespmem:s2], [sflag:$0x2] =	stream.linear.gather [hbm4b:s4+s2], $0x80, $0x38;
	[tilespmem:$0x4080] =	vst v63  }
0x8: {  	s6 =	simm.s32 $0x80;
	s11 =	sshrl.u32 s10, $0x1;
	_ =	swait.ge [sflag:s3], $0x80  }
0x9: {  	s9 =	sshll.u32 s9, $0xB;
	s31 =	ssub.s32 s10, s11;
	[sflag:s3] =	ssyncset.done $0x0  }
0xa: {  	s8 =	sadd.s32 s9, s8;
	s9 =	smax.u32 s31, $0x1;
	[sflag:s3] =	ssyncadd.s32 $0xFFFFFF80  }
0xb: {  	[tilespmem:s6], [sflag:$0x1] =	stream.indirect.gather [hbm4b:s5+s6], $0x80, s2, s6, $0xb8;
	[tilespmem:$0x4080] =	vst v63  }
0xc: {  	p0 =	sne.s32 s9, $0x1;
	_ =	swait.ge [sflag:s7], $0x4000  }
.Ltmp0:
0xd: {  	[sflag:s7] =	ssyncset.done $0x0;
	(pc) =	sbr.rel @!p0 .LBB2_2-.Ltmp0, $4  }
0xe: {  	s8 =	sadd.s32 $0x22400, s8;
	[sflag:s7] =	ssyncadd.s32 $0xFFFFC000  }
0xf: {  	[hbm4b:s8+s2] =	stream.linear.scatter [tilespmem:s6], [sflag:$0x2], $0x4000, $0x38;
	[tilespmem:$0x4080] =	vst v63  }
0x10: {  	_ =	swait.ge [sflag:s3], $0x4000  }
0x11: {  	s9 =	sadd.s32 $0xFFFFFFFF, s9;
	[sflag:s3] =	ssyncset.done $0x0  }
.LBB2_1:
0x12: {  	p0 =	sne.s32 s9, $0x1;
	s9 =	sadd.s32 $0xFFFFFFFF, s9;
	[sflag:s3] =	ssyncadd.s32 $0xFFFFC000  }
0x13: {  	[tilespmem:s2], [sflag:$0x2] =	stream.linear.gather [hbm4b:s4+s2], $0x80, $0x38;
	[tilespmem:$0x4080] =	vst v63  }
0x14: {  	_ =	swait.ge [sflag:s3], $0x80  }
0x15: {  	[sflag:s3] =	ssyncset.done $0x0  }
0x16: {  	[sflag:s3] =	ssyncadd.s32 $0xFFFFFF80  }
0x17: {  	[tilespmem:s6], [sflag:$0x1] =	stream.indirect.gather [hbm4b:s5+s6], $0x80, s2, s6, $0xb8;
	[tilespmem:$0x4080] =	vst v63  }
0x18: {  	_ =	swait.ge [sflag:s7], $0x4000  }
.Ltmp1:
0x19: {  	[sflag:s7] =	ssyncset.done $0x0;
	(pc) =	sbr.rel @p0 .LBB2_1-.Ltmp1, $4  }
0x1a: {  	[sflag:s7] =	ssyncadd.s32 $0xFFFFC000  }
0x1b: {  	[hbm4b:s8+s2] =	stream.linear.scatter [tilespmem:s6], [sflag:$0x2], $0x4000, $0x38;
	[tilespmem:$0x4080] =	vst v63  }
0x1c: {  	_ =	swait.ge [sflag:s3], $0x4000  }
0x1d: {  	[sflag:s3] =	ssyncset.done $0x0  }
.LBB2_2:
0x1e: {  	[sflag:s3] =	ssyncadd.s32 $0xFFFFC000  }
0x1f: {  	_ =	sfence.sel $0x180000  }
0x20: {  	[bflag:$0x0] =	sbarrier.arrive $0xFFFF  }
0x21: {  	p0 =	sne.s32 s0, $0x0;
	_ =	strace $0x90000047  }
0x22: {  	s0 =	sadd.s32 @!p0 $0x100000, s1;
	[bflag:$0x2] =	sbarrier.arrive $0xFFFF  }
0x23: {  	[sflag:s0] =	ssyncadd.tile.s32 @!p0 $0x1;
	_ =	shalt  }
.Lfunc_end2:
_tile_overlayer_lowered:
.L_overlay_start_2:
0x24: {  	(tag) =	ssettag $0x2  }
0x25: {  	s0 =	rddreg [dreg:$0x0];
	s2 =	stileid.u32  }
0x26: {  	s1 =	rddreg [dreg:$0x1];
	p0 =	sne.s32 s2, $0x0  }
0x27: {  	s3 =	rddreg [dreg:$0x2];
	[bflag:$0x3] =	sbarrier.arrive $0xFFFF;
	s2 =	simm.s32 @!p0 $0x1C02  }
0x28: {  	[timem:s3], [sflag:s2] =	dma.local @!p0 [hbm:s0], s1  }
0x29: {  	s0 =	simm.s32 @!p0 $0x2  }
0x2a: {  	_ =	swait.ge @!p0 [sflag:s0], s1  }
0x2b: {  	s1 =	ssub.s32 @!p0 $0x0, s1;
	[sflag:s0] =	ssyncset.done @!p0 $0x0  }
0x2c: {  	[sflag:s0] =	ssyncadd.s32 @!p0 s1  }
0x2d: {  	[bflag:$0x3] =	sbarrier.arrive $0xFFFF  }
0x2e: {  	_ =	shalt  }

</sc_bundles>
